<compile_context>
chip_gen: v7x
topology: tpu7x:2x2x1
jax: 0.10.2.dev20260603
libtpu: 0.0.44.dev20260713+nightly
codegen_flags: <defaults>
</compile_context>

<pallas_src>
import functools
import jax
import jax.numpy as jnp
from jax import lax
from jax.experimental import pallas as pl
from jax.experimental.pallas import tpu as pltpu
from jax.experimental.pallas import tpu_sc as plsc

N = 10000
E = 160000
D_IN = 256
H = 128
G = 64
BN = 2000

NC = 2
NS = 16

A_CHUNK = 125
A_ITERS = E // (NC * NS * A_CHUNK)

C_CHUNK = 125
C_ITERS = E // (NS * C_CHUNK)

W_TILES = 10
W_ROWS = N // W_TILES
WCHUNK = 200
WITERS = W_ROWS // WCHUNK

_mesh = plsc.VectorSubcoreMesh(core_axis_name="c", subcore_axis_name="s")


@functools.partial(
    pl.kernel,
    mesh=_mesh,
    out_type=[
        jax.ShapeDtypeStruct((N,), jnp.float32),
        jax.ShapeDtypeStruct((N,), jnp.float32),
    ],
    scratch_types=[
        pltpu.VMEM((A_ITERS, A_CHUNK), jnp.int32),
        pltpu.VMEM((A_CHUNK,), jnp.float32),
        pltpu.VMEM((N,), jnp.float32),
        pltpu.SemaphoreType.DMA,
        pltpu.VMEM_SHARED((N,), jnp.float32),
    ],
)
def _deg_kernel(dstA_hbm, ones_hbm, zeros_hbm, deg0_hbm, deg1_hbm,
                idx_v, ones_v, stage_v, ssem, deg_sp):
    c = lax.axis_index("c")
    s = lax.axis_index("s")

    @pl.when(s == 0)
    def _():
        pltpu.sync_copy(zeros_hbm, deg_sp)
    plsc.subcore_barrier()

    w = c * NS + s
    pltpu.sync_copy(dstA_hbm.at[w], idx_v)
    pltpu.sync_copy(ones_hbm, ones_v)

    def step(i, _):
        pltpu.async_copy(ones_v, deg_sp.at[idx_v.at[i]], ssem, add=True)
        return 0
    lax.fori_loop(0, A_ITERS, step, 0)

    def dstep(i, _):
        pltpu.make_async_copy(ones_v, deg_sp.at[idx_v.at[i]], ssem).wait()
        return 0
    lax.fori_loop(0, A_ITERS, dstep, 0)

    plsc.subcore_barrier()

    @pl.when((s == 0) & (c == 0))
    def _():
        pltpu.sync_copy(deg_sp, stage_v)
        pltpu.sync_copy(stage_v, deg0_hbm)

    @pl.when((s == 0) & (c == 1))
    def _():
        pltpu.sync_copy(deg_sp, stage_v)
        pltpu.sync_copy(stage_v, deg1_hbm)


@functools.partial(
    pl.kernel,
    mesh=_mesh,
    out_type=[
        jax.ShapeDtypeStruct((N, H), jnp.bfloat16),
        jax.ShapeDtypeStruct((N, H), jnp.bfloat16),
    ],
    scratch_types=[
        pltpu.VMEM((C_ITERS, C_CHUNK), jnp.int32),
        pltpu.VMEM((C_ITERS, C_CHUNK), jnp.int32),
        pltpu.VMEM((C_CHUNK, H), jnp.bfloat16),
        pltpu.VMEM((C_CHUNK, H), jnp.bfloat16),
        pltpu.VMEM((C_CHUNK, H), jnp.bfloat16),
        pltpu.VMEM((C_CHUNK, H), jnp.bfloat16),
        pltpu.VMEM((WCHUNK, H), jnp.bfloat16),
        pltpu.SemaphoreType.DMA,
        pltpu.SemaphoreType.DMA,
        pltpu.SemaphoreType.DMA,
        pltpu.SemaphoreType.DMA,
        pltpu.SemaphoreType.DMA,
        pltpu.SemaphoreType.DMA,
        pltpu.SemaphoreType.DMA,
        pltpu.SemaphoreType.DMA,
        pltpu.SemaphoreType.DMA,
        pltpu.VMEM_SHARED((N, H), jnp.bfloat16),
    ],
    compiler_params=pltpu.CompilerParams(use_tc_tiling_on_sc=False),
)
def _agg_kernel(xs0_hbm, xs1_hbm, srcC_hbm, dstC_hbm, zrows_hbm,
                agg0_hbm, agg1_hbm,
                sidx_v, didx_v, rows0_v, rows1_v, rows2_v, rows3_v,
                stage_v, sem0, sem1, sem2, sem3,
                ssem0, ssem1, ssem2, ssem3, isem,
                agg_sp):
    c = lax.axis_index("c")
    s = lax.axis_index("s")

    pltpu.async_copy(srcC_hbm.at[s], sidx_v, isem)
    pltpu.async_copy(dstC_hbm.at[s], didx_v, isem)

    @pl.when(s < W_TILES)
    def _():
        def zstep(j, _):
            pltpu.sync_copy(
                zrows_hbm,
                agg_sp.at[pl.ds(s * W_ROWS + j * WCHUNK, WCHUNK)])
            return 0
        lax.fori_loop(0, WITERS, zstep, 0)

    pltpu.make_async_copy(srcC_hbm.at[s], sidx_v, isem).wait()
    pltpu.make_async_copy(dstC_hbm.at[s], didx_v, isem).wait()
    plsc.subcore_barrier()

    def one_pass(xsq_hbm, aggq_hbm):
        bufs = (rows0_v, rows1_v, rows2_v, rows3_v)
        sems = (sem0, sem1, sem2, sem3)
        ssems = (ssem0, ssem1, ssem2, ssem3)
        NB = 4
        NK = C_ITERS // NB

        def gather_start(i, b):
            pltpu.async_copy(xsq_hbm.at[sidx_v.at[i]], bufs[b], sems[b])

        def gather_wait(i, b):
            pltpu.make_async_copy(
                xsq_hbm.at[sidx_v.at[i]], bufs[b], sems[b]).wait()

        def scatter_start(i, b):
            pltpu.async_copy(bufs[b], agg_sp.at[didx_v.at[i]], ssems[b],
                             add=True)

        def scatter_wait(i, b):
            pltpu.make_async_copy(
                bufs[b], agg_sp.at[didx_v.at[i]], ssems[b]).wait()

        gather_start(0, 0)
        gather_start(1, 1)

        def quad(k, _):
            i0 = NB * k
            for p in range(NB):
                i = i0 + p
                gather_wait(i, p)
                nb = (p + 2) % NB
                if p < NB - 2:
                    @pl.when(k > 0)
                    def _():
                        scatter_wait(i - 2, nb)
                    gather_start(i + 2, nb)
                else:
                    scatter_wait(i - 2, nb)

                    @pl.when(k < NK - 1)
                    def _():
                        gather_start(i + 2, nb)
                scatter_start(i, p)
            return 0
        lax.fori_loop(0, NK, quad, 0)

        scatter_wait(C_ITERS - 2, 2)
        scatter_wait(C_ITERS - 1, 3)
        plsc.subcore_barrier()

        @pl.when(s < W_TILES)
        def _():
            def wstep(j, _):
                r = s * W_ROWS + j * WCHUNK
                pltpu.sync_copy(agg_sp.at[pl.ds(r, WCHUNK)], stage_v)
                pltpu.sync_copy(stage_v, aggq_hbm.at[pl.ds(r, WCHUNK)])
                return 0
            lax.fori_loop(0, WITERS, wstep, 0)

    @pl.when(c == 0)
    def _():
        one_pass(xs0_hbm, agg0_hbm)

    @pl.when(c == 1)
    def _():
        one_pass(xs1_hbm, agg1_hbm)


def _scale_body(deg0_ref, deg1_ref, x_ref, xs0_ref, xs1_ref, dis_ref):
    deg = deg0_ref[...] + deg1_ref[...] + 1.0
    dis = lax.rsqrt(deg)
    xv = x_ref[...]
    xs0_ref[...] = (dis * xv[:, :H]).astype(jnp.bfloat16)
    xs1_ref[...] = (dis * xv[:, H:]).astype(jnp.bfloat16)
    dis_ref[...] = dis


def _scale_call(deg0, deg1, x):
    return pl.pallas_call(
        _scale_body,
        grid=(N // BN,),
        in_specs=[
            pl.BlockSpec((BN, 1), lambda i: (i, 0)),
            pl.BlockSpec((BN, 1), lambda i: (i, 0)),
            pl.BlockSpec((BN, D_IN), lambda i: (i, 0)),
        ],
        out_specs=[
            pl.BlockSpec((BN, H), lambda i: (i, 0)),
            pl.BlockSpec((BN, H), lambda i: (i, 0)),
            pl.BlockSpec((BN, 1), lambda i: (i, 0)),
        ],
        out_shape=[
            jax.ShapeDtypeStruct((N, H), jnp.bfloat16),
            jax.ShapeDtypeStruct((N, H), jnp.bfloat16),
            jax.ShapeDtypeStruct((N, 1), jnp.float32),
        ],
    )(deg0, deg1, x)


def _head_body(xs0_ref, xs1_ref, agg0_ref, agg1_ref, dis_ref, batch_ref,
               W1_ref, b1_ref, W2_ref, b2_ref, out_ref, acc_ref):
    i = pl.program_id(0)
    dis = dis_ref[...]
    agg = jnp.concatenate(
        [agg0_ref[...].astype(jnp.float32) + xs0_ref[...].astype(jnp.float32),
         agg1_ref[...].astype(jnp.float32) + xs1_ref[...].astype(jnp.float32)],
        axis=1)
    z = agg * dis
    h = jnp.dot(z, W1_ref[...], preferred_element_type=jnp.float32) \
        + b1_ref[...]
    h = jnp.where(h > 0, h, 0.01 * h)
    v = jnp.dot(h, W2_ref[...], preferred_element_type=jnp.float32)
    b = batch_ref[...]
    gids = lax.broadcasted_iota(jnp.int32, (BN, G), 1)
    onehot = (b == gids).astype(jnp.float32)
    vv = jnp.concatenate([v, jnp.ones((BN, 1), jnp.float32)], axis=1)
    contrib = lax.dot_general(onehot, vv, (((0,), (0,)), ((), ())),
                              preferred_element_type=jnp.float32)

    @pl.when(i == 0)
    def _():
        acc_ref[...] = jnp.zeros_like(acc_ref)

    acc_ref[...] += contrib

    @pl.when(i == pl.num_programs(0) - 1)
    def _():
        a = acc_ref[...]
        out_ref[...] = a[:, 0:1] / jnp.maximum(a[:, 1:2], 1.0) + b2_ref[...]


def _head_call(xs0, xs1, agg0, agg1, dis, batch2d, W1, b1r, W2, b2r):
    return pl.pallas_call(
        _head_body,
        grid=(N // BN,),
        in_specs=[
            pl.BlockSpec((BN, H), lambda i: (i, 0)),
            pl.BlockSpec((BN, H), lambda i: (i, 0)),
            pl.BlockSpec((BN, H), lambda i: (i, 0)),
            pl.BlockSpec((BN, H), lambda i: (i, 0)),
            pl.BlockSpec((BN, 1), lambda i: (i, 0)),
            pl.BlockSpec((BN, 1), lambda i: (i, 0)),
            pl.BlockSpec((D_IN, D_IN), lambda i: (0, 0)),
            pl.BlockSpec((1, D_IN), lambda i: (0, 0)),
            pl.BlockSpec((D_IN, 1), lambda i: (0, 0)),
            pl.BlockSpec((1, 1), lambda i: (0, 0)),
        ],
        out_specs=pl.BlockSpec((G, 1), lambda i: (0, 0)),
        out_shape=jax.ShapeDtypeStruct((G, 1), jnp.float32),
        scratch_shapes=[pltpu.VMEM((G, 2), jnp.float32)],
    )(xs0, xs1, agg0, agg1, dis, batch2d, W1, b1r, W2, b2r)


def kernel(x, edge_index, batch, W1, b1, W2, b2):
    ei = edge_index.astype(jnp.int32)
    dstA = ei[1].reshape(NC * NS, A_ITERS, A_CHUNK)
    srcC = ei[0].reshape(NS, C_ITERS, C_CHUNK)
    dstC = ei[1].reshape(NS, C_ITERS, C_CHUNK)
    onesA = jnp.ones((A_CHUNK,), jnp.float32)
    zeros_n = jnp.zeros((N,), jnp.float32)
    zrows = jnp.zeros((WCHUNK, H), jnp.bfloat16)

    deg0, deg1 = _deg_kernel(dstA, onesA, zeros_n)
    xs0, xs1, dis = _scale_call(deg0.reshape(N, 1), deg1.reshape(N, 1), x)
    agg0, agg1 = _agg_kernel(xs0, xs1, srcC, dstC, zrows)
    out = _head_call(xs0, xs1, agg0, agg1, dis,
                     batch.astype(jnp.int32).reshape(N, 1),
                     W1, b1.reshape(1, D_IN), W2, b2.reshape(1, 1))
    return out

# --- scband reference (transcript-rebuilt; emitter-appended) ---
"""Pipeline reference for scband-simplest-gnn-20590073217285 (READ-ONLY COPY).

The authoritative reference and input builder live on the scoring server;
editing this copy changes nothing except your own understanding.
"""

import jax, jax.numpy as jnp
import numpy as np

N = 10000      # nodes
E = 160000     # edges
D_IN = 256
D_HID = 256
G = 64         # graphs in batch


def setup_inputs(seed: int = 0) -> dict:
    key = jax.random.key(seed)
    k1, k2, k3, k4, k5 = jax.random.split(key, 5)
    x = jax.random.normal(k1, (N, D_IN), dtype=jnp.float32)
    edge_index = jax.random.randint(k2, (2, E), 0, N)
    batch = jnp.sort(jax.random.randint(k3, (N,), 0, G))
    # GCNConv weight (in->hidden) + bias
    W1 = jax.random.normal(k4, (D_IN, D_HID), dtype=jnp.float32) * (1.0 / np.sqrt(D_IN))
    b1 = jnp.zeros((D_HID,), dtype=jnp.float32)
    # Final linear hidden->1
    W2 = jax.random.normal(k5, (D_HID, 1), dtype=jnp.float32) * (1.0 / np.sqrt(D_HID))
    b2 = jnp.zeros((1,), dtype=jnp.float32)
    return {"x": x, "edge_index": edge_index, "batch": batch,
            "W1": W1, "b1": b1, "W2": W2, "b2": b2}


def _gcn_conv(x, edge_index, W, b):
    # PyG GCNConv with default add_self_loops=True, normalize=True
    src = edge_index[0]
    dst = edge_index[1]
    loop = jnp.arange(N)
    src = jnp.concatenate([src, loop])
    dst = jnp.concatenate([dst, loop])
    h = x @ W
    ones = jnp.ones(src.shape[0], dtype=x.dtype)
    deg = jax.ops.segment_sum(ones, dst, num_segments=N)
    deg_inv_sqrt = jnp.where(deg > 0, 1.0 / jnp.sqrt(deg), 0.0)
    norm = deg_inv_sqrt[src] * deg_inv_sqrt[dst]
    msg = h[src] * norm[:, None]
    out = jax.ops.segment_sum(msg, dst, num_segments=N)
    return out + b


def reference(x, edge_index, batch, W1, b1, W2, b2):
    h = _gcn_conv(x, edge_index, W1, b1)
    h = jax.nn.leaky_relu(h, negative_slope=0.01)
    # global_mean_pool over batch vector
    sums = jax.ops.segment_sum(h, batch, num_segments=G)
    counts = jax.ops.segment_sum(jnp.ones((N,), dtype=h.dtype), batch, num_segments=G)
    pooled = sums / jnp.maximum(counts, 1.0)[:, None]
    # dropout is identity in eval mode
    return pooled @ W2 + b2

if __name__ == "__main__":
    import jax
    _d = setup_inputs()
    print(jax.jit(kernel)(*tuple(_d.values())))

</pallas_src>

<mosaic_0001>
#map = affine_map<(d0, d1) -> (0, 0, 0)>
#map1 = affine_map<(d0, d1) -> (0)>
module attributes {stable_mosaic.version = 14 : i64} {
  func.func @_deg_kernel(%arg0: i32, %arg1: i32, %arg2: memref<32x40x125xi32, #tpu.memory_space<hbm>>, %arg3: memref<125xf32, #tpu.memory_space<hbm>>, %arg4: memref<10000xf32, #tpu.memory_space<hbm>>, %arg5: memref<10000xf32, #tpu.memory_space<hbm>>, %arg6: memref<10000xf32, #tpu.memory_space<hbm>>, %arg7: memref<40x125xi32, #tpu.memory_space<vmem>>, %arg8: memref<125xf32, #tpu.memory_space<vmem>>, %arg9: memref<10000xf32, #tpu.memory_space<vmem>>, %arg10: memref<!tpu.dma_semaphore, #tpu.memory_space<semaphore_mem>>, %arg11: memref<10000xf32, #tpu.memory_space<vmem_shared>>) attributes {dimension_semantics = [#tpu.dimension_semantics<core_parallel>, #tpu.dimension_semantics<subcore_parallel>], iteration_bounds = array<i64: 2, 16>, scalar_prefetch = 0 : i64, scratch_operands = 5 : i64, tpu.core_type = #tpu.core_type<sc_vector_subcore>, window_params = [{transform_indices = #map}, {transform_indices = #map1}, {transform_indices = #map1}, {transform_indices = #map1}, {transform_indices = #map1}]} {
    %eq3A = arith.constant 0 : i32
    %eq3A_0 = arith.cmpi eq, %arg1, %eq3A : i32
    %convert_element_type3A = arith.extui %eq3A_0 : i1 to i32
    %cond3A = arith.constant 0 : i32
    %cond3A_1 = arith.cmpi ne, %convert_element_type3A, %cond3A : i32
    scf.if %cond3A_1 {
      "tpu.region"() ({
        %run_scoped3A = tpu.sem_alloc : memref<!tpu.dma_semaphore, #tpu.memory_space<semaphore_mem>>
        tpu.enqueue_dma source(%arg4 : memref<10000xf32, #tpu.memory_space<hbm>>) target(%arg11 : memref<10000xf32, #tpu.memory_space<vmem_shared>>) target_semaphore(%run_scoped3A : memref<!tpu.dma_semaphore, #tpu.memory_space<semaphore_mem>>)
        tpu.wait_dma2 semaphore(%run_scoped3A : memref<!tpu.dma_semaphore, #tpu.memory_space<semaphore_mem>>) src(%arg4 : memref<10000xf32, #tpu.memory_space<hbm>>) dst(%arg11 : memref<10000xf32, #tpu.memory_space<vmem_shared>>)
        tpu.yield
      }) : () -> ()
    } else {
    }
    %barrier3A = arith.constant 0 : index
    tpu.barrier barrier_id(%barrier3A)
    %mul3A = arith.constant 16 : i32
    %mul3A_2 = arith.muli %arg0, %mul3A : i32
    %add3A = arith.addi %mul3A_2, %arg1 : i32
    "tpu.region"() ({
      %run_scoped3A = tpu.sem_alloc : memref<!tpu.dma_semaphore, #tpu.memory_space<semaphore_mem>>
      %dma_start3A = arith.constant 0 : i32
      %dma_start3A_32 = arith.constant 0 : i32
      %dma_start3A_33 = tpu.memref_slice %arg2[%add3A, %dma_start3A, %dma_start3A_32] : memref<32x40x125xi32, #tpu.memory_space<hbm>> -> memref<1x40x125xi32, #tpu.memory_space<hbm>>
      %dma_start3A_34 = tpu.memref_squeeze %dma_start3A_33 : memref<1x40x125xi32, #tpu.memory_space<hbm>> -> memref<40x125xi32, #tpu.memory_space<hbm>>
      %dma_start3A_35 = arith.constant 0 : i32
      %dma_start3A_36 = arith.constant 0 : i32
      %dma_start3A_37 = tpu.memref_slice %arg2[%add3A, %dma_start3A_35, %dma_start3A_36] : memref<32x40x125xi32, #tpu.memory_space<hbm>> -> memref<1x40x125xi32, #tpu.memory_space<hbm>>
      %dma_start3A_38 = tpu.memref_squeeze %dma_start3A_37 : memref<1x40x125xi32, #tpu.memory_space<hbm>> -> memref<40x125xi32, #tpu.memory_space<hbm>>
      tpu.enqueue_dma source(%dma_start3A_38 : memref<40x125xi32, #tpu.memory_space<hbm>>) target(%arg7 : memref<40x125xi32, #tpu.memory_space<vmem>>) target_semaphore(%run_scoped3A : memref<!tpu.dma_semaphore, #tpu.memory_space<semaphore_mem>>)
      %dma_wait3A = arith.constant 0 : i32
      %dma_wait3A_39 = arith.constant 0 : i32
      %dma_wait3A_40 = tpu.memref_slice %arg2[%add3A, %dma_wait3A, %dma_wait3A_39] : memref<32x40x125xi32, #tpu.memory_space<hbm>> -> memref<1x40x125xi32, #tpu.memory_space<hbm>>
      %dma_wait3A_41 = tpu.memref_squeeze %dma_wait3A_40 : memref<1x40x125xi32, #tpu.memory_space<hbm>> -> memref<40x125xi32, #tpu.memory_space<hbm>>
      %dma_wait3A_42 = arith.constant 0 : i32
      %dma_wait3A_43 = arith.constant 0 : i32
      %dma_wait3A_44 = tpu.memref_slice %arg2[%add3A, %dma_wait3A_42, %dma_wait3A_43] : memref<32x40x125xi32, #tpu.memory_space<hbm>> -> memref<1x40x125xi32, #tpu.memory_space<hbm>>
      %dma_wait3A_45 = tpu.memref_squeeze %dma_wait3A_44 : memref<1x40x125xi32, #tpu.memory_space<hbm>> -> memref<40x125xi32, #tpu.memory_space<hbm>>
      tpu.wait_dma2 semaphore(%run_scoped3A : memref<!tpu.dma_semaphore, #tpu.memory_space<semaphore_mem>>) src(%dma_wait3A_45 : memref<40x125xi32, #tpu.memory_space<hbm>>) dst(%arg7 : memref<40x125xi32, #tpu.memory_space<vmem>>)
      tpu.yield
    }) : () -> ()
    "tpu.region"() ({
      %run_scoped3A = tpu.sem_alloc : memref<!tpu.dma_semaphore, #tpu.memory_space<semaphore_mem>>
      tpu.enqueue_dma source(%arg3 : memref<125xf32, #tpu.memory_space<hbm>>) target(%arg8 : memref<125xf32, #tpu.memory_space<vmem>>) target_semaphore(%run_scoped3A : memref<!tpu.dma_semaphore, #tpu.memory_space<semaphore_mem>>)
      tpu.wait_dma2 semaphore(%run_scoped3A : memref<!tpu.dma_semaphore, #tpu.memory_space<semaphore_mem>>) src(%arg3 : memref<125xf32, #tpu.memory_space<hbm>>) dst(%arg8 : memref<125xf32, #tpu.memory_space<vmem>>)
      tpu.yield
    }) : () -> ()
    %scan3A = arith.constant 0 : i32
    %scan3A_3 = arith.constant 0 : i32
    %scan3A_4 = arith.constant 40 : i32
    %scan3A_5 = arith.addi %scan3A_3, %scan3A_4 : i32
    %scan3A_6 = arith.constant 1 : i32
    %scan3A_7 = scf.for %scan3A_32 = %scan3A_3 to %scan3A_5 step %scan3A_6 iter_args(%scan3A_33 = %scan3A) -> (i32)  : i32 {
      %dma_start3A = arith.constant 0 : i32
      %dma_start3A_34 = tpu.memref_slice %arg7[%scan3A_32, %dma_start3A] : memref<40x125xi32, #tpu.memory_space<vmem>> -> memref<1x125xi32, #tpu.memory_space<vmem>>
      %dma_start3A_35 = tpu.memref_squeeze %dma_start3A_34 : memref<1x125xi32, #tpu.memory_space<vmem>> -> memref<125xi32, #tpu.memory_space<vmem>>
      %dma_start3A_36 = arith.constant 0 : i32
      %dma_start3A_37 = tpu.memref_slice %arg11[%dma_start3A_36] : memref<10000xf32, #tpu.memory_space<vmem_shared>> -> memref<10000xf32, #tpu.memory_space<vmem_shared>>
      tpu.enqueue_indirect_dma source(%arg8 : memref<125xf32, #tpu.memory_space<vmem>>) target(%dma_start3A_37 : memref<10000xf32, #tpu.memory_space<vmem_shared>>) offsets(%dma_start3A_35 : memref<125xi32, #tpu.memory_space<vmem>>) semaphore(%arg10 : memref<!tpu.dma_semaphore, #tpu.memory_space<semaphore_mem>>) {add = true}
      %scan3A_38 = arith.constant 0 : i32
      scf.yield %scan3A_38 : i32
    }
    %scan3A_8 = arith.constant 40 : i32
    %scan3A_9 = arith.constant 0 : i32
    %scan3A_10 = arith.constant 0 : i32
    %scan3A_11 = arith.constant 40 : i32
    %scan3A_12 = arith.addi %scan3A_10, %scan3A_11 : i32
    %scan3A_13 = arith.constant 1 : i32
    %scan3A_14 = scf.for %scan3A_32 = %scan3A_10 to %scan3A_12 step %scan3A_13 iter_args(%scan3A_33 = %scan3A_9) -> (i32)  : i32 {
      %dma_wait3A = arith.constant 0 : i32
      %dma_wait3A_34 = tpu.memref_slice %arg7[%scan3A_32, %dma_wait3A] : memref<40x125xi32, #tpu.memory_space<vmem>> -> memref<1x125xi32, #tpu.memory_space<vmem>>
      %dma_wait3A_35 = tpu.memref_squeeze %dma_wait3A_34 : memref<1x125xi32, #tpu.memory_space<vmem>> -> memref<125xi32, #tpu.memory_space<vmem>>
      %dma_wait3A_36 = arith.constant 0 : i32
      %dma_wait3A_37 = tpu.memref_slice %arg11[%dma_wait3A_36] : memref<10000xf32, #tpu.memory_space<vmem_shared>> -> memref<10000xf32, #tpu.memory_space<vmem_shared>>
      tpu.wait_indirect_dma semaphore(%arg10 : memref<!tpu.dma_semaphore, #tpu.memory_space<semaphore_mem>>) src(%arg8 : memref<125xf32, #tpu.memory_space<vmem>>) dst(%dma_wait3A_37 : memref<10000xf32, #tpu.memory_space<vmem_shared>>)
      %scan3A_38 = arith.constant 0 : i32
      scf.yield %scan3A_38 : i32
    }
    %scan3A_15 = arith.constant 40 : i32
    %barrier3A_16 = arith.constant 0 : index
    tpu.barrier barrier_id(%barrier3A_16)
    %eq3A_17 = arith.constant 0 : i32
    %eq3A_18 = arith.cmpi eq, %arg1, %eq3A_17 : i32
    %eq3A_19 = arith.constant 0 : i32
    %eq3A_20 = arith.cmpi eq, %arg0, %eq3A_19 : i32
    %and3A = arith.andi %eq3A_18, %eq3A_20 : i1
    %convert_element_type3A_21 = arith.extui %and3A : i1 to i32
    %cond3A_22 = arith.constant 0 : i32
    %cond3A_23 = arith.cmpi ne, %convert_element_type3A_21, %cond3A_22 : i32
    scf.if %cond3A_23 {
      "tpu.region"() ({
        %run_scoped3A = tpu.sem_alloc : memref<!tpu.dma_semaphore, #tpu.memory_space<semaphore_mem>>
        tpu.enqueue_dma source(%arg11 : memref<10000xf32, #tpu.memory_space<vmem_shared>>) target(%arg9 : memref<10000xf32, #tpu.memory_space<vmem>>) target_semaphore(%run_scoped3A : memref<!tpu.dma_semaphore, #tpu.memory_space<semaphore_mem>>)
        tpu.wait_dma2 semaphore(%run_scoped3A : memref<!tpu.dma_semaphore, #tpu.memory_space<semaphore_mem>>) src(%arg11 : memref<10000xf32, #tpu.memory_space<vmem_shared>>) dst(%arg9 : memref<10000xf32, #tpu.memory_space<vmem>>)
        tpu.yield
      }) : () -> ()
      "tpu.region"() ({
        %run_scoped3A = tpu.sem_alloc : memref<!tpu.dma_semaphore, #tpu.memory_space<semaphore_mem>>
        tpu.enqueue_dma source(%arg9 : memref<10000xf32, #tpu.memory_space<vmem>>) target(%arg5 : memref<10000xf32, #tpu.memory_space<hbm>>) target_semaphore(%run_scoped3A : memref<!tpu.dma_semaphore, #tpu.memory_space<semaphore_mem>>)
        tpu.wait_dma2 semaphore(%run_scoped3A : memref<!tpu.dma_semaphore, #tpu.memory_space<semaphore_mem>>) src(%arg9 : memref<10000xf32, #tpu.memory_space<vmem>>) dst(%arg5 : memref<10000xf32, #tpu.memory_space<hbm>>)
        tpu.yield
      }) : () -> ()
    } else {
    }
    %eq3A_24 = arith.constant 0 : i32
    %eq3A_25 = arith.cmpi eq, %arg1, %eq3A_24 : i32
    %eq3A_26 = arith.constant 1 : i32
    %eq3A_27 = arith.cmpi eq, %arg0, %eq3A_26 : i32
    %and3A_28 = arith.andi %eq3A_25, %eq3A_27 : i1
    %convert_element_type3A_29 = arith.extui %and3A_28 : i1 to i32
    %cond3A_30 = arith.constant 0 : i32
    %cond3A_31 = arith.cmpi ne, %convert_element_type3A_29, %cond3A_30 : i32
    scf.if %cond3A_31 {
      "tpu.region"() ({
        %run_scoped3A = tpu.sem_alloc : memref<!tpu.dma_semaphore, #tpu.memory_space<semaphore_mem>>
        tpu.enqueue_dma source(%arg11 : memref<10000xf32, #tpu.memory_space<vmem_shared>>) target(%arg9 : memref<10000xf32, #tpu.memory_space<vmem>>) target_semaphore(%run_scoped3A : memref<!tpu.dma_semaphore, #tpu.memory_space<semaphore_mem>>)
        tpu.wait_dma2 semaphore(%run_scoped3A : memref<!tpu.dma_semaphore, #tpu.memory_space<semaphore_mem>>) src(%arg11 : memref<10000xf32, #tpu.memory_space<vmem_shared>>) dst(%arg9 : memref<10000xf32, #tpu.memory_space<vmem>>)
        tpu.yield
      }) : () -> ()
      "tpu.region"() ({
        %run_scoped3A = tpu.sem_alloc : memref<!tpu.dma_semaphore, #tpu.memory_space<semaphore_mem>>
        tpu.enqueue_dma source(%arg9 : memref<10000xf32, #tpu.memory_space<vmem>>) target(%arg6 : memref<10000xf32, #tpu.memory_space<hbm>>) target_semaphore(%run_scoped3A : memref<!tpu.dma_semaphore, #tpu.memory_space<semaphore_mem>>)
        tpu.wait_dma2 semaphore(%run_scoped3A : memref<!tpu.dma_semaphore, #tpu.memory_space<semaphore_mem>>) src(%arg9 : memref<10000xf32, #tpu.memory_space<vmem>>) dst(%arg6 : memref<10000xf32, #tpu.memory_space<hbm>>)
        tpu.yield
      }) : () -> ()
    } else {
    }
    return
  }
}

#map = affine_map<(d0, d1) -> (0, 0)>
#map1 = affine_map<(d0, d1) -> (0, 0, 0)>
module attributes {stable_mosaic.version = 14 : i64} {
  func.func @_agg_kernel(%arg0: i32, %arg1: i32, %arg2: memref<10000x128xbf16, #tpu.memory_space<hbm>>, %arg3: memref<10000x128xbf16, #tpu.memory_space<hbm>>, %arg4: memref<16x80x125xi32, #tpu.memory_space<hbm>>, %arg5: memref<16x80x125xi32, #tpu.memory_space<hbm>>, %arg6: memref<200x128xbf16, #tpu.memory_space<hbm>>, %arg7: memref<10000x128xbf16, #tpu.memory_space<hbm>>, %arg8: memref<10000x128xbf16, #tpu.memory_space<hbm>>, %arg9: memref<80x125xi32, #tpu.memory_space<vmem>>, %arg10: memref<80x125xi32, #tpu.memory_space<vmem>>, %arg11: memref<125x128xbf16, #tpu.memory_space<vmem>>, %arg12: memref<125x128xbf16, #tpu.memory_space<vmem>>, %arg13: memref<125x128xbf16, #tpu.memory_space<vmem>>, %arg14: memref<125x128xbf16, #tpu.memory_space<vmem>>, %arg15: memref<200x128xbf16, #tpu.memory_space<vmem>>, %arg16: memref<!tpu.dma_semaphore, #tpu.memory_space<semaphore_mem>>, %arg17: memref<!tpu.dma_semaphore, #tpu.memory_space<semaphore_mem>>, %arg18: memref<!tpu.dma_semaphore, #tpu.memory_space<semaphore_mem>>, %arg19: memref<!tpu.dma_semaphore, #tpu.memory_space<semaphore_mem>>, %arg20: memref<!tpu.dma_semaphore, #tpu.memory_space<semaphore_mem>>, %arg21: memref<!tpu.dma_semaphore, #tpu.memory_space<semaphore_mem>>, %arg22: memref<!tpu.dma_semaphore, #tpu.memory_space<semaphore_mem>>, %arg23: memref<!tpu.dma_semaphore, #tpu.memory_space<semaphore_mem>>, %arg24: memref<!tpu.dma_semaphore, #tpu.memory_space<semaphore_mem>>, %arg25: memref<10000x128xbf16, #tpu.memory_space<vmem_shared>>) attributes {dimension_semantics = [#tpu.dimension_semantics<core_parallel>, #tpu.dimension_semantics<subcore_parallel>], iteration_bounds = array<i64: 2, 16>, scalar_prefetch = 0 : i64, scratch_operands = 17 : i64, tpu.core_type = #tpu.core_type<sc_vector_subcore>, window_params = [{transform_indices = #map}, {transform_indices = #map}, {transform_indices = #map1}, {transform_indices = #map1}, {transform_indices = #map}, {transform_indices = #map}, {transform_indices = #map}]} {
    %dma_start3A = arith.constant 0 : i32
    %dma_start3A_0 = arith.constant 0 : i32
    %dma_start3A_1 = tpu.memref_slice %arg4[%arg1, %dma_start3A, %dma_start3A_0] : memref<16x80x125xi32, #tpu.memory_space<hbm>> -> memref<1x80x125xi32, #tpu.memory_space<hbm>>
    %dma_start3A_2 = tpu.memref_squeeze %dma_start3A_1 : memref<1x80x125xi32, #tpu.memory_space<hbm>> -> memref<80x125xi32, #tpu.memory_space<hbm>>
    %dma_start3A_3 = arith.constant 0 : i32
    %dma_start3A_4 = arith.constant 0 : i32
    %dma_start3A_5 = tpu.memref_slice %arg4[%arg1, %dma_start3A_3, %dma_start3A_4] : memref<16x80x125xi32, #tpu.memory_space<hbm>> -> memref<1x80x125xi32, #tpu.memory_space<hbm>>
    %dma_start3A_6 = tpu.memref_squeeze %dma_start3A_5 : memref<1x80x125xi32, #tpu.memory_space<hbm>> -> memref<80x125xi32, #tpu.memory_space<hbm>>
    tpu.enqueue_dma source(%dma_start3A_6 : memref<80x125xi32, #tpu.memory_space<hbm>>) target(%arg9 : memref<80x125xi32, #tpu.memory_space<vmem>>) target_semaphore(%arg24 : memref<!tpu.dma_semaphore, #tpu.memory_space<semaphore_mem>>)
    %dma_start3A_7 = arith.constant 0 : i32
    %dma_start3A_8 = arith.constant 0 : i32
    %dma_start3A_9 = tpu.memref_slice %arg5[%arg1, %dma_start3A_7, %dma_start3A_8] : memref<16x80x125xi32, #tpu.memory_space<hbm>> -> memref<1x80x125xi32, #tpu.memory_space<hbm>>
    %dma_start3A_10 = tpu.memref_squeeze %dma_start3A_9 : memref<1x80x125xi32, #tpu.memory_space<hbm>> -> memref<80x125xi32, #tpu.memory_space<hbm>>
    %dma_start3A_11 = arith.constant 0 : i32
    %dma_start3A_12 = arith.constant 0 : i32
    %dma_start3A_13 = tpu.memref_slice %arg5[%arg1, %dma_start3A_11, %dma_start3A_12] : memref<16x80x125xi32, #tpu.memory_space<hbm>> -> memref<1x80x125xi32, #tpu.memory_space<hbm>>
    %dma_start3A_14 = tpu.memref_squeeze %dma_start3A_13 : memref<1x80x125xi32, #tpu.memory_space<hbm>> -> memref<80x125xi32, #tpu.memory_space<hbm>>
    tpu.enqueue_dma source(%dma_start3A_14 : memref<80x125xi32, #tpu.memory_space<hbm>>) target(%arg10 : memref<80x125xi32, #tpu.memory_space<vmem>>) target_semaphore(%arg24 : memref<!tpu.dma_semaphore, #tpu.memory_space<semaphore_mem>>)
    %lt3A = arith.constant 10 : i32
    %lt3A_15 = arith.cmpi slt, %arg1, %lt3A : i32
    %convert_element_type3A = arith.extui %lt3A_15 : i1 to i32
    %cond3A = arith.constant 0 : i32
    %cond3A_16 = arith.cmpi ne, %convert_element_type3A, %cond3A : i32
    scf.if %cond3A_16 {
      %scan3A = arith.constant 0 : i32
      %scan3A_41 = arith.constant 0 : i32
      %scan3A_42 = arith.constant 5 : i32
      %scan3A_43 = arith.addi %scan3A_41, %scan3A_42 : i32
      %scan3A_44 = arith.constant 1 : i32
      %scan3A_45 = scf.for %scan3A_47 = %scan3A_41 to %scan3A_43 step %scan3A_44 iter_args(%scan3A_48 = %scan3A) -> (i32)  : i32 {
        %mul3A = arith.constant 1000 : i32
        %mul3A_49 = arith.muli %arg1, %mul3A : i32
        %mul3A_50 = arith.constant 200 : i32
        %mul3A_51 = arith.muli %scan3A_47, %mul3A_50 : i32
        %add3A = arith.addi %mul3A_49, %mul3A_51 : i32
        "tpu.region"() ({
          %run_scoped3A = tpu.sem_alloc : memref<!tpu.dma_semaphore, #tpu.memory_space<semaphore_mem>>
          %dma_start3A_53 = arith.constant 0 : i32
          %dma_start3A_54 = tpu.memref_slice %arg25[%add3A, %dma_start3A_53] : memref<10000x128xbf16, #tpu.memory_space<vmem_shared>> -> memref<200x128xbf16, #tpu.memory_space<vmem_shared>>
          tpu.enqueue_dma source(%arg6 : memref<200x128xbf16, #tpu.memory_space<hbm>>) target(%dma_start3A_54 : memref<200x128xbf16, #tpu.memory_space<vmem_shared>>) target_semaphore(%run_scoped3A : memref<!tpu.dma_semaphore, #tpu.memory_space<semaphore_mem>>)
          %dma_wait3A_55 = arith.constant 0 : i32
          %dma_wait3A_56 = tpu.memref_slice %arg25[%add3A, %dma_wait3A_55] : memref<10000x128xbf16, #tpu.memory_space<vmem_shared>> -> memref<200x128xbf16, #tpu.memory_space<vmem_shared>>
          tpu.wait_dma2 semaphore(%run_scoped3A : memref<!tpu.dma_semaphore, #tpu.memory_space<semaphore_mem>>) src(%arg6 : memref<200x128xbf16, #tpu.memory_space<hbm>>) dst(%dma_wait3A_56 : memref<200x128xbf16, #tpu.memory_space<vmem_shared>>)
          tpu.yield
        }) : () -> ()
        %scan3A_52 = arith.constant 0 : i32
        scf.yield %scan3A_52 : i32
      }
      %scan3A_46 = arith.constant 5 : i32
    } else {
    }
    %dma_wait3A = arith.constant 0 : i32
    %dma_wait3A_17 = arith.constant 0 : i32
    %dma_wait3A_18 = tpu.memref_slice %arg4[%arg1, %dma_wait3A, %dma_wait3A_17] : memref<16x80x125xi32, #tpu.memory_space<hbm>> -> memref<1x80x125xi32, #tpu.memory_space<hbm>>
    %dma_wait3A_19 = tpu.memref_squeeze %dma_wait3A_18 : memref<1x80x125xi32, #tpu.memory_space<hbm>> -> memref<80x125xi32, #tpu.memory_space<hbm>>
    %dma_wait3A_20 = arith.constant 0 : i32
    %dma_wait3A_21 = arith.constant 0 : i32
    %dma_wait3A_22 = tpu.memref_slice %arg4[%arg1, %dma_wait3A_20, %dma_wait3A_21] : memref<16x80x125xi32, #tpu.memory_space<hbm>> -> memref<1x80x125xi32, #tpu.memory_space<hbm>>
    %dma_wait3A_23 = tpu.memref_squeeze %dma_wait3A_22 : memref<1x80x125xi32, #tpu.memory_space<hbm>> -> memref<80x125xi32, #tpu.memory_space<hbm>>
    tpu.wait_dma2 semaphore(%arg24 : memref<!tpu.dma_semaphore, #tpu.memory_space<semaphore_mem>>) src(%dma_wait3A_23 : memref<80x125xi32, #tpu.memory_space<hbm>>) dst(%arg9 : memref<80x125xi32, #tpu.memory_space<vmem>>)
    %dma_wait3A_24 = arith.constant 0 : i32
    %dma_wait3A_25 = arith.constant 0 : i32
    %dma_wait3A_26 = tpu.memref_slice %arg5[%arg1, %dma_wait3A_24, %dma_wait3A_25] : memref<16x80x125xi32, #tpu.memory_space<hbm>> -> memref<1x80x125xi32, #tpu.memory_space<hbm>>
    %dma_wait3A_27 = tpu.memref_squeeze %dma_wait3A_26 : memref<1x80x125xi32, #tpu.memory_space<hbm>> -> memref<80x125xi32, #tpu.memory_space<hbm>>
    %dma_wait3A_28 = arith.constant 0 : i32
    %dma_wait3A_29 = arith.constant 0 : i32
    %dma_wait3A_30 = tpu.memref_slice %arg5[%arg1, %dma_wait3A_28, %dma_wait3A_29] : memref<16x80x125xi32, #tpu.memory_space<hbm>> -> memref<1x80x125xi32, #tpu.memory_space<hbm>>
    %dma_wait3A_31 = tpu.memref_squeeze %dma_wait3A_30 : memref<1x80x125xi32, #tpu.memory_space<hbm>> -> memref<80x125xi32, #tpu.memory_space<hbm>>
    tpu.wait_dma2 semaphore(%arg24 : memref<!tpu.dma_semaphore, #tpu.memory_space<semaphore_mem>>) src(%dma_wait3A_31 : memref<80x125xi32, #tpu.memory_space<hbm>>) dst(%arg10 : memref<80x125xi32, #tpu.memory_space<vmem>>)
    %barrier3A = arith.constant 0 : index
    tpu.barrier barrier_id(%barrier3A)
    %eq3A = arith.constant 0 : i32
    %eq3A_32 = arith.cmpi eq, %arg0, %eq3A : i32
    %convert_element_type3A_33 = arith.extui %eq3A_32 : i1 to i32
    %cond3A_34 = arith.constant 0 : i32
    %cond3A_35 = arith.cmpi ne, %convert_element_type3A_33, %cond3A_34 : i32
    scf.if %cond3A_35 {
      %dma_start3A_41 = arith.constant 0 : i32
      %dma_start3A_42 = arith.constant 0 : i32
      %dma_start3A_43 = tpu.memref_slice %arg9[%dma_start3A_41, %dma_start3A_42] : memref<80x125xi32, #tpu.memory_space<vmem>> -> memref<1x125xi32, #tpu.memory_space<vmem>>
      %dma_start3A_44 = tpu.memref_squeeze %dma_start3A_43 : memref<1x125xi32, #tpu.memory_space<vmem>> -> memref<125xi32, #tpu.memory_space<vmem>>
      %dma_start3A_45 = arith.constant 0 : i32
      %dma_start3A_46 = arith.constant 0 : i32
      %dma_start3A_47 = tpu.memref_slice %arg2[%dma_start3A_45, %dma_start3A_46] : memref<10000x128xbf16, #tpu.memory_space<hbm>> -> memref<10000x128xbf16, #tpu.memory_space<hbm>>
      tpu.enqueue_indirect_dma source(%dma_start3A_47 : memref<10000x128xbf16, #tpu.memory_space<hbm>>) target(%arg11 : memref<125x128xbf16, #tpu.memory_space<vmem>>) offsets(%dma_start3A_44 : memref<125xi32, #tpu.memory_space<vmem>>) semaphore(%arg16 : memref<!tpu.dma_semaphore, #tpu.memory_space<semaphore_mem>>)
      %dma_start3A_48 = arith.constant 1 : i32
      %dma_start3A_49 = arith.constant 0 : i32
      %dma_start3A_50 = tpu.memref_slice %arg9[%dma_start3A_48, %dma_start3A_49] : memref<80x125xi32, #tpu.memory_space<vmem>> -> memref<1x125xi32, #tpu.memory_space<vmem>>
      %dma_start3A_51 = tpu.memref_squeeze %dma_start3A_50 : memref<1x125xi32, #tpu.memory_space<vmem>> -> memref<125xi32, #tpu.memory_space<vmem>>
      %dma_start3A_52 = arith.constant 0 : i32
      %dma_start3A_53 = arith.constant 0 : i32
      %dma_start3A_54 = tpu.memref_slice %arg2[%dma_start3A_52, %dma_start3A_53] : memref<10000x128xbf16, #tpu.memory_space<hbm>> -> memref<10000x128xbf16, #tpu.memory_space<hbm>>
      tpu.enqueue_indirect_dma source(%dma_start3A_54 : memref<10000x128xbf16, #tpu.memory_space<hbm>>) target(%arg12 : memref<125x128xbf16, #tpu.memory_space<vmem>>) offsets(%dma_start3A_51 : memref<125xi32, #tpu.memory_space<vmem>>) semaphore(%arg17 : memref<!tpu.dma_semaphore, #tpu.memory_space<semaphore_mem>>)
      %scan3A = arith.constant 0 : i32
      %scan3A_55 = arith.constant 0 : i32
      %scan3A_56 = arith.constant 20 : i32
      %scan3A_57 = arith.addi %scan3A_55, %scan3A_56 : i32
      %scan3A_58 = arith.constant 1 : i32
      %scan3A_59 = scf.for %scan3A_81 = %scan3A_55 to %scan3A_57 step %scan3A_58 iter_args(%scan3A_82 = %scan3A) -> (i32)  : i32 {
        %mul3A = arith.constant 4 : i32
        %mul3A_83 = arith.muli %mul3A, %scan3A_81 : i32
        %add3A = arith.constant 0 : i32
        %add3A_84 = arith.addi %mul3A_83, %add3A : i32
        %dma_wait3A_85 = arith.constant 0 : i32
        %dma_wait3A_86 = tpu.memref_slice %arg9[%add3A_84, %dma_wait3A_85] : memref<80x125xi32, #tpu.memory_space<vmem>> -> memref<1x125xi32, #tpu.memory_space<vmem>>
        %dma_wait3A_87 = tpu.memref_squeeze %dma_wait3A_86 : memref<1x125xi32, #tpu.memory_space<vmem>> -> memref<125xi32, #tpu.memory_space<vmem>>
        %dma_wait3A_88 = arith.constant 0 : i32
        %dma_wait3A_89 = arith.constant 0 : i32
        %dma_wait3A_90 = tpu.memref_slice %arg2[%dma_wait3A_88, %dma_wait3A_89] : memref<10000x128xbf16, #tpu.memory_space<hbm>> -> memref<10000x128xbf16, #tpu.memory_space<hbm>>
        tpu.wait_indirect_dma semaphore(%arg16 : memref<!tpu.dma_semaphore, #tpu.memory_space<semaphore_mem>>) src(%dma_wait3A_90 : memref<10000x128xbf16, #tpu.memory_space<hbm>>) dst(%arg11 : memref<125x128xbf16, #tpu.memory_space<vmem>>)
        %gt3A = arith.constant 0 : i32
        %gt3A_91 = arith.cmpi sgt, %scan3A_81, %gt3A : i32
        %convert_element_type3A_92 = arith.extui %gt3A_91 : i1 to i32
        %cond3A_93 = arith.constant 0 : i32
        %cond3A_94 = arith.cmpi ne, %convert_element_type3A_92, %cond3A_93 : i32
        scf.if %cond3A_94 {
          %sub3A_190 = arith.constant 2 : i32
          %sub3A_191 = arith.subi %add3A_84, %sub3A_190 : i32
          %dma_wait3A_192 = arith.constant 0 : i32
          %dma_wait3A_193 = tpu.memref_slice %arg10[%sub3A_191, %dma_wait3A_192] : memref<80x125xi32, #tpu.memory_space<vmem>> -> memref<1x125xi32, #tpu.memory_space<vmem>>
          %dma_wait3A_194 = tpu.memref_squeeze %dma_wait3A_193 : memref<1x125xi32, #tpu.memory_space<vmem>> -> memref<125xi32, #tpu.memory_space<vmem>>
          %dma_wait3A_195 = arith.constant 0 : i32
          %dma_wait3A_196 = arith.constant 0 : i32
          %dma_wait3A_197 = tpu.memref_slice %arg25[%dma_wait3A_195, %dma_wait3A_196] : memref<10000x128xbf16, #tpu.memory_space<vmem_shared>> -> memref<10000x128xbf16, #tpu.memory_space<vmem_shared>>
          tpu.wait_indirect_dma semaphore(%arg22 : memref<!tpu.dma_semaphore, #tpu.memory_space<semaphore_mem>>) src(%arg13 : memref<125x128xbf16, #tpu.memory_space<vmem>>) dst(%dma_wait3A_197 : memref<10000x128xbf16, #tpu.memory_space<vmem_shared>>)
        } else {
        }
        %add3A_95 = arith.constant 2 : i32
        %add3A_96 = arith.addi %add3A_84, %add3A_95 : i32
        %dma_start3A_97 = arith.constant 0 : i32
        %dma_start3A_98 = tpu.memref_slice %arg9[%add3A_96, %dma_start3A_97] : memref<80x125xi32, #tpu.memory_space<vmem>> -> memref<1x125xi32, #tpu.memory_space<vmem>>
        %dma_start3A_99 = tpu.memref_squeeze %dma_start3A_98 : memref<1x125xi32, #tpu.memory_space<vmem>> -> memref<125xi32, #tpu.memory_space<vmem>>
        %dma_start3A_100 = arith.constant 0 : i32
        %dma_start3A_101 = arith.constant 0 : i32
        %dma_start3A_102 = tpu.memref_slice %arg2[%dma_start3A_100, %dma_start3A_101] : memref<10000x128xbf16, #tpu.memory_space<hbm>> -> memref<10000x128xbf16, #tpu.memory_space<hbm>>
        tpu.enqueue_indirect_dma source(%dma_start3A_102 : memref<10000x128xbf16, #tpu.memory_space<hbm>>) target(%arg13 : memref<125x128xbf16, #tpu.memory_space<vmem>>) offsets(%dma_start3A_99 : memref<125xi32, #tpu.memory_space<vmem>>) semaphore(%arg18 : memref<!tpu.dma_semaphore, #tpu.memory_space<semaphore_mem>>)
        %dma_start3A_103 = arith.constant 0 : i32
        %dma_start3A_104 = tpu.memref_slice %arg10[%add3A_84, %dma_start3A_103] : memref<80x125xi32, #tpu.memory_space<vmem>> -> memref<1x125xi32, #tpu.memory_space<vmem>>
        %dma_start3A_105 = tpu.memref_squeeze %dma_start3A_104 : memref<1x125xi32, #tpu.memory_space<vmem>> -> memref<125xi32, #tpu.memory_space<vmem>>
        %dma_start3A_106 = arith.constant 0 : i32
        %dma_start3A_107 = arith.constant 0 : i32
        %dma_start3A_108 = tpu.memref_slice %arg25[%dma_start3A_106, %dma_start3A_107] : memref<10000x128xbf16, #tpu.memory_space<vmem_shared>> -> memref<10000x128xbf16, #tpu.memory_space<vmem_shared>>
        tpu.enqueue_indirect_dma source(%arg11 : memref<125x128xbf16, #tpu.memory_space<vmem>>) target(%dma_start3A_108 : memref<10000x128xbf16, #tpu.memory_space<vmem_shared>>) offsets(%dma_start3A_105 : memref<125xi32, #tpu.memory_space<vmem>>) semaphore(%arg20 : memref<!tpu.dma_semaphore, #tpu.memory_space<semaphore_mem>>) {add = true}
        %add3A_109 = arith.constant 1 : i32
        %add3A_110 = arith.addi %mul3A_83, %add3A_109 : i32
        %dma_wait3A_111 = arith.constant 0 : i32
        %dma_wait3A_112 = tpu.memref_slice %arg9[%add3A_110, %dma_wait3A_111] : memref<80x125xi32, #tpu.memory_space<vmem>> -> memref<1x125xi32, #tpu.memory_space<vmem>>
        %dma_wait3A_113 = tpu.memref_squeeze %dma_wait3A_112 : memref<1x125xi32, #tpu.memory_space<vmem>> -> memref<125xi32, #tpu.memory_space<vmem>>
        %dma_wait3A_114 = arith.constant 0 : i32
        %dma_wait3A_115 = arith.constant 0 : i32
        %dma_wait3A_116 = tpu.memref_slice %arg2[%dma_wait3A_114, %dma_wait3A_115] : memref<10000x128xbf16, #tpu.memory_space<hbm>> -> memref<10000x128xbf16, #tpu.memory_space<hbm>>
        tpu.wait_indirect_dma semaphore(%arg17 : memref<!tpu.dma_semaphore, #tpu.memory_space<semaphore_mem>>) src(%dma_wait3A_116 : memref<10000x128xbf16, #tpu.memory_space<hbm>>) dst(%arg12 : memref<125x128xbf16, #tpu.memory_space<vmem>>)
        %gt3A_117 = arith.constant 0 : i32
        %gt3A_118 = arith.cmpi sgt, %scan3A_81, %gt3A_117 : i32
        %convert_element_type3A_119 = arith.extui %gt3A_118 : i1 to i32
        %cond3A_120 = arith.constant 0 : i32
        %cond3A_121 = arith.cmpi ne, %convert_element_type3A_119, %cond3A_120 : i32
        scf.if %cond3A_121 {
          %sub3A_190 = arith.constant 2 : i32
          %sub3A_191 = arith.subi %add3A_110, %sub3A_190 : i32
          %dma_wait3A_192 = arith.constant 0 : i32
          %dma_wait3A_193 = tpu.memref_slice %arg10[%sub3A_191, %dma_wait3A_192] : memref<80x125xi32, #tpu.memory_space<vmem>> -> memref<1x125xi32, #tpu.memory_space<vmem>>
          %dma_wait3A_194 = tpu.memref_squeeze %dma_wait3A_193 : memref<1x125xi32, #tpu.memory_space<vmem>> -> memref<125xi32, #tpu.memory_space<vmem>>
          %dma_wait3A_195 = arith.constant 0 : i32
          %dma_wait3A_196 = arith.constant 0 : i32
          %dma_wait3A_197 = tpu.memref_slice %arg25[%dma_wait3A_195, %dma_wait3A_196] : memref<10000x128xbf16, #tpu.memory_space<vmem_shared>> -> memref<10000x128xbf16, #tpu.memory_space<vmem_shared>>
          tpu.wait_indirect_dma semaphore(%arg23 : memref<!tpu.dma_semaphore, #tpu.memory_space<semaphore_mem>>) src(%arg14 : memref<125x128xbf16, #tpu.memory_space<vmem>>) dst(%dma_wait3A_197 : memref<10000x128xbf16, #tpu.memory_space<vmem_shared>>)
        } else {
        }
        %add3A_122 = arith.constant 2 : i32
        %add3A_123 = arith.addi %add3A_110, %add3A_122 : i32
        %dma_start3A_124 = arith.constant 0 : i32
        %dma_start3A_125 = tpu.memref_slice %arg9[%add3A_123, %dma_start3A_124] : memref<80x125xi32, #tpu.memory_space<vmem>> -> memref<1x125xi32, #tpu.memory_space<vmem>>
        %dma_start3A_126 = tpu.memref_squeeze %dma_start3A_125 : memref<1x125xi32, #tpu.memory_space<vmem>> -> memref<125xi32, #tpu.memory_space<vmem>>
        %dma_start3A_127 = arith.constant 0 : i32
        %dma_start3A_128 = arith.constant 0 : i32
        %dma_start3A_129 = tpu.memref_slice %arg2[%dma_start3A_127, %dma_start3A_128] : memref<10000x128xbf16, #tpu.memory_space<hbm>> -> memref<10000x128xbf16, #tpu.memory_space<hbm>>
        tpu.enqueue_indirect_dma source(%dma_start3A_129 : memref<10000x128xbf16, #tpu.memory_space<hbm>>) target(%arg14 : memref<125x128xbf16, #tpu.memory_space<vmem>>) offsets(%dma_start3A_126 : memref<125xi32, #tpu.memory_space<vmem>>) semaphore(%arg19 : memref<!tpu.dma_semaphore, #tpu.memory_space<semaphore_mem>>)
        %dma_start3A_130 = arith.constant 0 : i32
        %dma_start3A_131 = tpu.memref_slice %arg10[%add3A_110, %dma_start3A_130] : memref<80x125xi32, #tpu.memory_space<vmem>> -> memref<1x125xi32, #tpu.memory_space<vmem>>
        %dma_start3A_132 = tpu.memref_squeeze %dma_start3A_131 : memref<1x125xi32, #tpu.memory_space<vmem>> -> memref<125xi32, #tpu.memory_space<vmem>>
        %dma_start3A_133 = arith.constant 0 : i32
        %dma_start3A_134 = arith.constant 0 : i32
        %dma_start3A_135 = tpu.memref_slice %arg25[%dma_start3A_133, %dma_start3A_134] : memref<10000x128xbf16, #tpu.memory_space<vmem_shared>> -> memref<10000x128xbf16, #tpu.memory_space<vmem_shared>>
        tpu.enqueue_indirect_dma source(%arg12 : memref<125x128xbf16, #tpu.memory_space<vmem>>) target(%dma_start3A_135 : memref<10000x128xbf16, #tpu.memory_space<vmem_shared>>) offsets(%dma_start3A_132 : memref<125xi32, #tpu.memory_space<vmem>>) semaphore(%arg21 : memref<!tpu.dma_semaphore, #tpu.memory_space<semaphore_mem>>) {add = true}
        %add3A_136 = arith.constant 2 : i32
        %add3A_137 = arith.addi %mul3A_83, %add3A_136 : i32
        %dma_wait3A_138 = arith.constant 0 : i32
        %dma_wait3A_139 = tpu.memref_slice %arg9[%add3A_137, %dma_wait3A_138] : memref<80x125xi32, #tpu.memory_space<vmem>> -> memref<1x125xi32, #tpu.memory_space<vmem>>
        %dma_wait3A_140 = tpu.memref_squeeze %dma_wait3A_139 : memref<1x125xi32, #tpu.memory_space<vmem>> -> memref<125xi32, #tpu.memory_space<vmem>>
        %dma_wait3A_141 = arith.constant 0 : i32
        %dma_wait3A_142 = arith.constant 0 : i32
        %dma_wait3A_143 = tpu.memref_slice %arg2[%dma_wait3A_141, %dma_wait3A_142] : memref<10000x128xbf16, #tpu.memory_space<hbm>> -> memref<10000x128xbf16, #tpu.memory_space<hbm>>
        tpu.wait_indirect_dma semaphore(%arg18 : memref<!tpu.dma_semaphore, #tpu.memory_space<semaphore_mem>>) src(%dma_wait3A_143 : memref<10000x128xbf16, #tpu.memory_space<hbm>>) dst(%arg13 : memref<125x128xbf16, #tpu.memory_space<vmem>>)
        %sub3A = arith.constant 2 : i32
        %sub3A_144 = arith.subi %add3A_137, %sub3A : i32
        %dma_wait3A_145 = arith.constant 0 : i32
        %dma_wait3A_146 = tpu.memref_slice %arg10[%sub3A_144, %dma_wait3A_145] : memref<80x125xi32, #tpu.memory_space<vmem>> -> memref<1x125xi32, #tpu.memory_space<vmem>>
        %dma_wait3A_147 = tpu.memref_squeeze %dma_wait3A_146 : memref<1x125xi32, #tpu.memory_space<vmem>> -> memref<125xi32, #tpu.memory_space<vmem>>
        %dma_wait3A_148 = arith.constant 0 : i32
        %dma_wait3A_149 = arith.constant 0 : i32
        %dma_wait3A_150 = tpu.memref_slice %arg25[%dma_wait3A_148, %dma_wait3A_149] : memref<10000x128xbf16, #tpu.memory_space<vmem_shared>> -> memref<10000x128xbf16, #tpu.memory_space<vmem_shared>>
        tpu.wait_indirect_dma semaphore(%arg20 : memref<!tpu.dma_semaphore, #tpu.memory_space<semaphore_mem>>) src(%arg11 : memref<125x128xbf16, #tpu.memory_space<vmem>>) dst(%dma_wait3A_150 : memref<10000x128xbf16, #tpu.memory_space<vmem_shared>>)
        %lt3A_151 = arith.constant 19 : i32
        %lt3A_152 = arith.cmpi slt, %scan3A_81, %lt3A_151 : i32
        %convert_element_type3A_153 = arith.extui %lt3A_152 : i1 to i32
        %cond3A_154 = arith.constant 0 : i32
        %cond3A_155 = arith.cmpi ne, %convert_element_type3A_153, %cond3A_154 : i32
        scf.if %cond3A_155 {
          %add3A_190 = arith.constant 2 : i32
          %add3A_191 = arith.addi %add3A_137, %add3A_190 : i32
          %dma_start3A_192 = arith.constant 0 : i32
          %dma_start3A_193 = tpu.memref_slice %arg9[%add3A_191, %dma_start3A_192] : memref<80x125xi32, #tpu.memory_space<vmem>> -> memref<1x125xi32, #tpu.memory_space<vmem>>
          %dma_start3A_194 = tpu.memref_squeeze %dma_start3A_193 : memref<1x125xi32, #tpu.memory_space<vmem>> -> memref<125xi32, #tpu.memory_space<vmem>>
          %dma_start3A_195 = arith.constant 0 : i32
          %dma_start3A_196 = arith.constant 0 : i32
          %dma_start3A_197 = tpu.memref_slice %arg2[%dma_start3A_195, %dma_start3A_196] : memref<10000x128xbf16, #tpu.memory_space<hbm>> -> memref<10000x128xbf16, #tpu.memory_space<hbm>>
          tpu.enqueue_indirect_dma source(%dma_start3A_197 : memref<10000x128xbf16, #tpu.memory_space<hbm>>) target(%arg11 : memref<125x128xbf16, #tpu.memory_space<vmem>>) offsets(%dma_start3A_194 : memref<125xi32, #tpu.memory_space<vmem>>) semaphore(%arg16 : memref<!tpu.dma_semaphore, #tpu.memory_space<semaphore_mem>>)
        } else {
        }
        %dma_start3A_156 = arith.constant 0 : i32
        %dma_start3A_157 = tpu.memref_slice %arg10[%add3A_137, %dma_start3A_156] : memref<80x125xi32, #tpu.memory_space<vmem>> -> memref<1x125xi32, #tpu.memory_space<vmem>>
        %dma_start3A_158 = tpu.memref_squeeze %dma_start3A_157 : memref<1x125xi32, #tpu.memory_space<vmem>> -> memref<125xi32, #tpu.memory_space<vmem>>
        %dma_start3A_159 = arith.constant 0 : i32
        %dma_start3A_160 = arith.constant 0 : i32
        %dma_start3A_161 = tpu.memref_slice %arg25[%dma_start3A_159, %dma_start3A_160] : memref<10000x128xbf16, #tpu.memory_space<vmem_shared>> -> memref<10000x128xbf16, #tpu.memory_space<vmem_shared>>
        tpu.enqueue_indirect_dma source(%arg13 : memref<125x128xbf16, #tpu.memory_space<vmem>>) target(%dma_start3A_161 : memref<10000x128xbf16, #tpu.memory_space<vmem_shared>>) offsets(%dma_start3A_158 : memref<125xi32, #tpu.memory_space<vmem>>) semaphore(%arg22 : memref<!tpu.dma_semaphore, #tpu.memory_space<semaphore_mem>>) {add = true}
        %add3A_162 = arith.constant 3 : i32
        %add3A_163 = arith.addi %mul3A_83, %add3A_162 : i32
        %dma_wait3A_164 = arith.constant 0 : i32
        %dma_wait3A_165 = tpu.memref_slice %arg9[%add3A_163, %dma_wait3A_164] : memref<80x125xi32, #tpu.memory_space<vmem>> -> memref<1x125xi32, #tpu.memory_space<vmem>>
        %dma_wait3A_166 = tpu.memref_squeeze %dma_wait3A_165 : memref<1x125xi32, #tpu.memory_space<vmem>> -> memref<125xi32, #tpu.memory_space<vmem>>
        %dma_wait3A_167 = arith.constant 0 : i32
        %dma_wait3A_168 = arith.constant 0 : i32
        %dma_wait3A_169 = tpu.memref_slice %arg2[%dma_wait3A_167, %dma_wait3A_168] : memref<10000x128xbf16, #tpu.memory_space<hbm>> -> memref<10000x128xbf16, #tpu.memory_space<hbm>>
        tpu.wait_indirect_dma semaphore(%arg19 : memref<!tpu.dma_semaphore, #tpu.memory_space<semaphore_mem>>) src(%dma_wait3A_169 : memref<10000x128xbf16, #tpu.memory_space<hbm>>) dst(%arg14 : memref<125x128xbf16, #tpu.memory_space<vmem>>)
        %sub3A_170 = arith.constant 2 : i32
        %sub3A_171 = arith.subi %add3A_163, %sub3A_170 : i32
        %dma_wait3A_172 = arith.constant 0 : i32
        %dma_wait3A_173 = tpu.memref_slice %arg10[%sub3A_171, %dma_wait3A_172] : memref<80x125xi32, #tpu.memory_space<vmem>> -> memref<1x125xi32, #tpu.memory_space<vmem>>
        %dma_wait3A_174 = tpu.memref_squeeze %dma_wait3A_173 : memref<1x125xi32, #tpu.memory_space<vmem>> -> memref<125xi32, #tpu.memory_space<vmem>>
        %dma_wait3A_175 = arith.constant 0 : i32
        %dma_wait3A_176 = arith.constant 0 : i32
        %dma_wait3A_177 = tpu.memref_slice %arg25[%dma_wait3A_175, %dma_wait3A_176] : memref<10000x128xbf16, #tpu.memory_space<vmem_shared>> -> memref<10000x128xbf16, #tpu.memory_space<vmem_shared>>
        tpu.wait_indirect_dma semaphore(%arg21 : memref<!tpu.dma_semaphore, #tpu.memory_space<semaphore_mem>>) src(%arg12 : memref<125x128xbf16, #tpu.memory_space<vmem>>) dst(%dma_wait3A_177 : memref<10000x128xbf16, #tpu.memory_space<vmem_shared>>)
        %lt3A_178 = arith.constant 19 : i32
        %lt3A_179 = arith.cmpi slt, %scan3A_81, %lt3A_178 : i32
        %convert_element_type3A_180 = arith.extui %lt3A_179 : i1 to i32
        %cond3A_181 = arith.constant 0 : i32
        %cond3A_182 = arith.cmpi ne, %convert_element_type3A_180, %cond3A_181 : i32
        scf.if %cond3A_182 {
          %add3A_190 = arith.constant 2 : i32
          %add3A_191 = arith.addi %add3A_163, %add3A_190 : i32
          %dma_start3A_192 = arith.constant 0 : i32
          %dma_start3A_193 = tpu.memref_slice %arg9[%add3A_191, %dma_start3A_192] : memref<80x125xi32, #tpu.memory_space<vmem>> -> memref<1x125xi32, #tpu.memory_space<vmem>>
          %dma_start3A_194 = tpu.memref_squeeze %dma_start3A_193 : memref<1x125xi32, #tpu.memory_space<vmem>> -> memref<125xi32, #tpu.memory_space<vmem>>
          %dma_start3A_195 = arith.constant 0 : i32
          %dma_start3A_196 = arith.constant 0 : i32
          %dma_start3A_197 = tpu.memref_slice %arg2[%dma_start3A_195, %dma_start3A_196] : memref<10000x128xbf16, #tpu.memory_space<hbm>> -> memref<10000x128xbf16, #tpu.memory_space<hbm>>
          tpu.enqueue_indirect_dma source(%dma_start3A_197 : memref<10000x128xbf16, #tpu.memory_space<hbm>>) target(%arg12 : memref<125x128xbf16, #tpu.memory_space<vmem>>) offsets(%dma_start3A_194 : memref<125xi32, #tpu.memory_space<vmem>>) semaphore(%arg17 : memref<!tpu.dma_semaphore, #tpu.memory_space<semaphore_mem>>)
        } else {
        }
        %dma_start3A_183 = arith.constant 0 : i32
        %dma_start3A_184 = tpu.memref_slice %arg10[%add3A_163, %dma_start3A_183] : memref<80x125xi32, #tpu.memory_space<vmem>> -> memref<1x125xi32, #tpu.memory_space<vmem>>
        %dma_start3A_185 = tpu.memref_squeeze %dma_start3A_184 : memref<1x125xi32, #tpu.memory_space<vmem>> -> memref<125xi32, #tpu.memory_space<vmem>>
        %dma_start3A_186 = arith.constant 0 : i32
        %dma_start3A_187 = arith.constant 0 : i32
        %dma_start3A_188 = tpu.memref_slice %arg25[%dma_start3A_186, %dma_start3A_187] : memref<10000x128xbf16, #tpu.memory_space<vmem_shared>> -> memref<10000x128xbf16, #tpu.memory_space<vmem_shared>>
        tpu.enqueue_indirect_dma source(%arg14 : memref<125x128xbf16, #tpu.memory_space<vmem>>) target(%dma_start3A_188 : memref<10000x128xbf16, #tpu.memory_space<vmem_shared>>) offsets(%dma_start3A_185 : memref<125xi32, #tpu.memory_space<vmem>>) semaphore(%arg23 : memref<!tpu.dma_semaphore, #tpu.memory_space<semaphore_mem>>) {add = true}
        %scan3A_189 = arith.constant 0 : i32
        scf.yield %scan3A_189 : i32
      }
      %scan3A_60 = arith.constant 20 : i32
      %dma_wait3A_61 = arith.constant 78 : i32
      %dma_wait3A_62 = arith.constant 0 : i32
      %dma_wait3A_63 = tpu.memref_slice %arg10[%dma_wait3A_61, %dma_wait3A_62] : memref<80x125xi32, #tpu.memory_space<vmem>> -> memref<1x125xi32, #tpu.memory_space<vmem>>
      %dma_wait3A_64 = tpu.memref_squeeze %dma_wait3A_63 : memref<1x125xi32, #tpu.memory_space<vmem>> -> memref<125xi32, #tpu.memory_space<vmem>>
      %dma_wait3A_65 = arith.constant 0 : i32
      %dma_wait3A_66 = arith.constant 0 : i32
      %dma_wait3A_67 = tpu.memref_slice %arg25[%dma_wait3A_65, %dma_wait3A_66] : memref<10000x128xbf16, #tpu.memory_space<vmem_shared>> -> memref<10000x128xbf16, #tpu.memory_space<vmem_shared>>
      tpu.wait_indirect_dma semaphore(%arg22 : memref<!tpu.dma_semaphore, #tpu.memory_space<semaphore_mem>>) src(%arg13 : memref<125x128xbf16, #tpu.memory_space<vmem>>) dst(%dma_wait3A_67 : memref<10000x128xbf16, #tpu.memory_space<vmem_shared>>)
      %dma_wait3A_68 = arith.constant 79 : i32
      %dma_wait3A_69 = arith.constant 0 : i32
      %dma_wait3A_70 = tpu.memref_slice %arg10[%dma_wait3A_68, %dma_wait3A_69] : memref<80x125xi32, #tpu.memory_space<vmem>> -> memref<1x125xi32, #tpu.memory_space<vmem>>
      %dma_wait3A_71 = tpu.memref_squeeze %dma_wait3A_70 : memref<1x125xi32, #tpu.memory_space<vmem>> -> memref<125xi32, #tpu.memory_space<vmem>>
      %dma_wait3A_72 = arith.constant 0 : i32
      %dma_wait3A_73 = arith.constant 0 : i32
      %dma_wait3A_74 = tpu.memref_slice %arg25[%dma_wait3A_72, %dma_wait3A_73] : memref<10000x128xbf16, #tpu.memory_space<vmem_shared>> -> memref<10000x128xbf16, #tpu.memory_space<vmem_shared>>
      tpu.wait_indirect_dma semaphore(%arg23 : memref<!tpu.dma_semaphore, #tpu.memory_space<semaphore_mem>>) src(%arg14 : memref<125x128xbf16, #tpu.memory_space<vmem>>) dst(%dma_wait3A_74 : memref<10000x128xbf16, #tpu.memory_space<vmem_shared>>)
      %barrier3A_75 = arith.constant 0 : index
      tpu.barrier barrier_id(%barrier3A_75)
      %lt3A_76 = arith.constant 10 : i32
      %lt3A_77 = arith.cmpi slt, %arg1, %lt3A_76 : i32
      %convert_element_type3A_78 = arith.extui %lt3A_77 : i1 to i32
      %cond3A_79 = arith.constant 0 : i32
      %cond3A_80 = arith.cmpi ne, %convert_element_type3A_78, %cond3A_79 : i32
      scf.if %cond3A_80 {
        %scan3A_81 = arith.constant 0 : i32
        %scan3A_82 = arith.constant 0 : i32
        %scan3A_83 = arith.constant 5 : i32
        %scan3A_84 = arith.addi %scan3A_82, %scan3A_83 : i32
        %scan3A_85 = arith.constant 1 : i32
        %scan3A_86 = scf.for %scan3A_88 = %scan3A_82 to %scan3A_84 step %scan3A_85 iter_args(%scan3A_89 = %scan3A_81) -> (i32)  : i32 {
          %mul3A = arith.constant 1000 : i32
          %mul3A_90 = arith.muli %arg1, %mul3A : i32
          %mul3A_91 = arith.constant 200 : i32
          %mul3A_92 = arith.muli %scan3A_88, %mul3A_91 : i32
          %add3A = arith.addi %mul3A_90, %mul3A_92 : i32
          "tpu.region"() ({
            %run_scoped3A = tpu.sem_alloc : memref<!tpu.dma_semaphore, #tpu.memory_space<semaphore_mem>>
            %dma_start3A_94 = arith.constant 0 : i32
            %dma_start3A_95 = tpu.memref_slice %arg25[%add3A, %dma_start3A_94] : memref<10000x128xbf16, #tpu.memory_space<vmem_shared>> -> memref<200x128xbf16, #tpu.memory_space<vmem_shared>>
            %dma_start3A_96 = arith.constant 0 : i32
            %dma_start3A_97 = tpu.memref_slice %arg25[%add3A, %dma_start3A_96] : memref<10000x128xbf16, #tpu.memory_space<vmem_shared>> -> memref<200x128xbf16, #tpu.memory_space<vmem_shared>>
            tpu.enqueue_dma source(%dma_start3A_97 : memref<200x128xbf16, #tpu.memory_space<vmem_shared>>) target(%arg15 : memref<200x128xbf16, #tpu.memory_space<vmem>>) target_semaphore(%run_scoped3A : memref<!tpu.dma_semaphore, #tpu.memory_space<semaphore_mem>>)
            %dma_wait3A_98 = arith.constant 0 : i32
            %dma_wait3A_99 = tpu.memref_slice %arg25[%add3A, %dma_wait3A_98] : memref<10000x128xbf16, #tpu.memory_space<vmem_shared>> -> memref<200x128xbf16, #tpu.memory_space<vmem_shared>>
            %dma_wait3A_100 = arith.constant 0 : i32
            %dma_wait3A_101 = tpu.memref_slice %arg25[%add3A, %dma_wait3A_100] : memref<10000x128xbf16, #tpu.memory_space<vmem_shared>> -> memref<200x128xbf16, #tpu.memory_space<vmem_shared>>
            tpu.wait_dma2 semaphore(%run_scoped3A : memref<!tpu.dma_semaphore, #tpu.memory_space<semaphore_mem>>) src(%dma_wait3A_101 : memref<200x128xbf16, #tpu.memory_space<vmem_shared>>) dst(%arg15 : memref<200x128xbf16, #tpu.memory_space<vmem>>)
            tpu.yield
          }) : () -> ()
          "tpu.region"() ({
            %run_scoped3A = tpu.sem_alloc : memref<!tpu.dma_semaphore, #tpu.memory_space<semaphore_mem>>
            %dma_start3A_94 = arith.constant 0 : i32
            %dma_start3A_95 = tpu.memref_slice %arg7[%add3A, %dma_start3A_94] : memref<10000x128xbf16, #tpu.memory_space<hbm>> -> memref<200x128xbf16, #tpu.memory_space<hbm>>
            %dma_start3A_96 = arith.constant 0 : i32
            %dma_start3A_97 = tpu.memref_slice %arg7[%add3A, %dma_start3A_96] : memref<10000x128xbf16, #tpu.memory_space<hbm>> -> memref<200x128xbf16, #tpu.memory_space<hbm>>
            tpu.enqueue_dma source(%arg15 : memref<200x128xbf16, #tpu.memory_space<vmem>>) target(%dma_start3A_97 : memref<200x128xbf16, #tpu.memory_space<hbm>>) target_semaphore(%run_scoped3A : memref<!tpu.dma_semaphore, #tpu.memory_space<semaphore_mem>>)
            %dma_wait3A_98 = arith.constant 0 : i32
            %dma_wait3A_99 = tpu.memref_slice %arg7[%add3A, %dma_wait3A_98] : memref<10000x128xbf16, #tpu.memory_space<hbm>> -> memref<200x128xbf16, #tpu.memory_space<hbm>>
            %dma_wait3A_100 = arith.constant 0 : i32
            %dma_wait3A_101 = tpu.memref_slice %arg7[%add3A, %dma_wait3A_100] : memref<10000x128xbf16, #tpu.memory_space<hbm>> -> memref<200x128xbf16, #tpu.memory_space<hbm>>
            tpu.wait_dma2 semaphore(%run_scoped3A : memref<!tpu.dma_semaphore, #tpu.memory_space<semaphore_mem>>) src(%arg15 : memref<200x128xbf16, #tpu.memory_space<vmem>>) dst(%dma_wait3A_101 : memref<200x128xbf16, #tpu.memory_space<hbm>>)
            tpu.yield
          }) : () -> ()
          %scan3A_93 = arith.constant 0 : i32
          scf.yield %scan3A_93 : i32
        }
        %scan3A_87 = arith.constant 5 : i32
      } else {
      }
    } else {
    }
    %eq3A_36 = arith.constant 1 : i32
    %eq3A_37 = arith.cmpi eq, %arg0, %eq3A_36 : i32
    %convert_element_type3A_38 = arith.extui %eq3A_37 : i1 to i32
    %cond3A_39 = arith.constant 0 : i32
    %cond3A_40 = arith.cmpi ne, %convert_element_type3A_38, %cond3A_39 : i32
    scf.if %cond3A_40 {
      %dma_start3A_41 = arith.constant 0 : i32
      %dma_start3A_42 = arith.constant 0 : i32
      %dma_start3A_43 = tpu.memref_slice %arg9[%dma_start3A_41, %dma_start3A_42] : memref<80x125xi32, #tpu.memory_space<vmem>> -> memref<1x125xi32, #tpu.memory_space<vmem>>
      %dma_start3A_44 = tpu.memref_squeeze %dma_start3A_43 : memref<1x125xi32, #tpu.memory_space<vmem>> -> memref<125xi32, #tpu.memory_space<vmem>>
      %dma_start3A_45 = arith.constant 0 : i32
      %dma_start3A_46 = arith.constant 0 : i32
      %dma_start3A_47 = tpu.memref_slice %arg3[%dma_start3A_45, %dma_start3A_46] : memref<10000x128xbf16, #tpu.memory_space<hbm>> -> memref<10000x128xbf16, #tpu.memory_space<hbm>>
      tpu.enqueue_indirect_dma source(%dma_start3A_47 : memref<10000x128xbf16, #tpu.memory_space<hbm>>) target(%arg11 : memref<125x128xbf16, #tpu.memory_space<vmem>>) offsets(%dma_start3A_44 : memref<125xi32, #tpu.memory_space<vmem>>) semaphore(%arg16 : memref<!tpu.dma_semaphore, #tpu.memory_space<semaphore_mem>>)
      %dma_start3A_48 = arith.constant 1 : i32
      %dma_start3A_49 = arith.constant 0 : i32
      %dma_start3A_50 = tpu.memref_slice %arg9[%dma_start3A_48, %dma_start3A_49] : memref<80x125xi32, #tpu.memory_space<vmem>> -> memref<1x125xi32, #tpu.memory_space<vmem>>
      %dma_start3A_51 = tpu.memref_squeeze %dma_start3A_50 : memref<1x125xi32, #tpu.memory_space<vmem>> -> memref<125xi32, #tpu.memory_space<vmem>>
      %dma_start3A_52 = arith.constant 0 : i32
      %dma_start3A_53 = arith.constant 0 : i32
      %dma_start3A_54 = tpu.memref_slice %arg3[%dma_start3A_52, %dma_start3A_53] : memref<10000x128xbf16, #tpu.memory_space<hbm>> -> memref<10000x128xbf16, #tpu.memory_space<hbm>>
      tpu.enqueue_indirect_dma source(%dma_start3A_54 : memref<10000x128xbf16, #tpu.memory_space<hbm>>) target(%arg12 : memref<125x128xbf16, #tpu.memory_space<vmem>>) offsets(%dma_start3A_51 : memref<125xi32, #tpu.memory_space<vmem>>) semaphore(%arg17 : memref<!tpu.dma_semaphore, #tpu.memory_space<semaphore_mem>>)
      %scan3A = arith.constant 0 : i32
      %scan3A_55 = arith.constant 0 : i32
      %scan3A_56 = arith.constant 20 : i32
      %scan3A_57 = arith.addi %scan3A_55, %scan3A_56 : i32
      %scan3A_58 = arith.constant 1 : i32
      %scan3A_59 = scf.for %scan3A_81 = %scan3A_55 to %scan3A_57 step %scan3A_58 iter_args(%scan3A_82 = %scan3A) -> (i32)  : i32 {
        %mul3A = arith.constant 4 : i32
        %mul3A_83 = arith.muli %mul3A, %scan3A_81 : i32
        %add3A = arith.constant 0 : i32
        %add3A_84 = arith.addi %mul3A_83, %add3A : i32
        %dma_wait3A_85 = arith.constant 0 : i32
        %dma_wait3A_86 = tpu.memref_slice %arg9[%add3A_84, %dma_wait3A_85] : memref<80x125xi32, #tpu.memory_space<vmem>> -> memref<1x125xi32, #tpu.memory_space<vmem>>
        %dma_wait3A_87 = tpu.memref_squeeze %dma_wait3A_86 : memref<1x125xi32, #tpu.memory_space<vmem>> -> memref<125xi32, #tpu.memory_space<vmem>>
        %dma_wait3A_88 = arith.constant 0 : i32
        %dma_wait3A_89 = arith.constant 0 : i32
        %dma_wait3A_90 = tpu.memref_slice %arg3[%dma_wait3A_88, %dma_wait3A_89] : memref<10000x128xbf16, #tpu.memory_space<hbm>> -> memref<10000x128xbf16, #tpu.memory_space<hbm>>
        tpu.wait_indirect_dma semaphore(%arg16 : memref<!tpu.dma_semaphore, #tpu.memory_space<semaphore_mem>>) src(%dma_wait3A_90 : memref<10000x128xbf16, #tpu.memory_space<hbm>>) dst(%arg11 : memref<125x128xbf16, #tpu.memory_space<vmem>>)
        %gt3A = arith.constant 0 : i32
        %gt3A_91 = arith.cmpi sgt, %scan3A_81, %gt3A : i32
        %convert_element_type3A_92 = arith.extui %gt3A_91 : i1 to i32
        %cond3A_93 = arith.constant 0 : i32
        %cond3A_94 = arith.cmpi ne, %convert_element_type3A_92, %cond3A_93 : i32
        scf.if %cond3A_94 {
          %sub3A_190 = arith.constant 2 : i32
          %sub3A_191 = arith.subi %add3A_84, %sub3A_190 : i32
          %dma_wait3A_192 = arith.constant 0 : i32
          %dma_wait3A_193 = tpu.memref_slice %arg10[%sub3A_191, %dma_wait3A_192] : memref<80x125xi32, #tpu.memory_space<vmem>> -> memref<1x125xi32, #tpu.memory_space<vmem>>
          %dma_wait3A_194 = tpu.memref_squeeze %dma_wait3A_193 : memref<1x125xi32, #tpu.memory_space<vmem>> -> memref<125xi32, #tpu.memory_space<vmem>>
          %dma_wait3A_195 = arith.constant 0 : i32
          %dma_wait3A_196 = arith.constant 0 : i32
          %dma_wait3A_197 = tpu.memref_slice %arg25[%dma_wait3A_195, %dma_wait3A_196] : memref<10000x128xbf16, #tpu.memory_space<vmem_shared>> -> memref<10000x128xbf16, #tpu.memory_space<vmem_shared>>
          tpu.wait_indirect_dma semaphore(%arg22 : memref<!tpu.dma_semaphore, #tpu.memory_space<semaphore_mem>>) src(%arg13 : memref<125x128xbf16, #tpu.memory_space<vmem>>) dst(%dma_wait3A_197 : memref<10000x128xbf16, #tpu.memory_space<vmem_shared>>)
        } else {
        }
        %add3A_95 = arith.constant 2 : i32
        %add3A_96 = arith.addi %add3A_84, %add3A_95 : i32
        %dma_start3A_97 = arith.constant 0 : i32
        %dma_start3A_98 = tpu.memref_slice %arg9[%add3A_96, %dma_start3A_97] : memref<80x125xi32, #tpu.memory_space<vmem>> -> memref<1x125xi32, #tpu.memory_space<vmem>>
        %dma_start3A_99 = tpu.memref_squeeze %dma_start3A_98 : memref<1x125xi32, #tpu.memory_space<vmem>> -> memref<125xi32, #tpu.memory_space<vmem>>
        %dma_start3A_100 = arith.constant 0 : i32
        %dma_start3A_101 = arith.constant 0 : i32
        %dma_start3A_102 = tpu.memref_slice %arg3[%dma_start3A_100, %dma_start3A_101] : memref<10000x128xbf16, #tpu.memory_space<hbm>> -> memref<10000x128xbf16, #tpu.memory_space<hbm>>
        tpu.enqueue_indirect_dma source(%dma_start3A_102 : memref<10000x128xbf16, #tpu.memory_space<hbm>>) target(%arg13 : memref<125x128xbf16, #tpu.memory_space<vmem>>) offsets(%dma_start3A_99 : memref<125xi32, #tpu.memory_space<vmem>>) semaphore(%arg18 : memref<!tpu.dma_semaphore, #tpu.memory_space<semaphore_mem>>)
        %dma_start3A_103 = arith.constant 0 : i32
        %dma_start3A_104 = tpu.memref_slice %arg10[%add3A_84, %dma_start3A_103] : memref<80x125xi32, #tpu.memory_space<vmem>> -> memref<1x125xi32, #tpu.memory_space<vmem>>
        %dma_start3A_105 = tpu.memref_squeeze %dma_start3A_104 : memref<1x125xi32, #tpu.memory_space<vmem>> -> memref<125xi32, #tpu.memory_space<vmem>>
        %dma_start3A_106 = arith.constant 0 : i32
        %dma_start3A_107 = arith.constant 0 : i32
        %dma_start3A_108 = tpu.memref_slice %arg25[%dma_start3A_106, %dma_start3A_107] : memref<10000x128xbf16, #tpu.memory_space<vmem_shared>> -> memref<10000x128xbf16, #tpu.memory_space<vmem_shared>>
        tpu.enqueue_indirect_dma source(%arg11 : memref<125x128xbf16, #tpu.memory_space<vmem>>) target(%dma_start3A_108 : memref<10000x128xbf16, #tpu.memory_space<vmem_shared>>) offsets(%dma_start3A_105 : memref<125xi32, #tpu.memory_space<vmem>>) semaphore(%arg20 : memref<!tpu.dma_semaphore, #tpu.memory_space<semaphore_mem>>) {add = true}
        %add3A_109 = arith.constant 1 : i32
        %add3A_110 = arith.addi %mul3A_83, %add3A_109 : i32
        %dma_wait3A_111 = arith.constant 0 : i32
        %dma_wait3A_112 = tpu.memref_slice %arg9[%add3A_110, %dma_wait3A_111] : memref<80x125xi32, #tpu.memory_space<vmem>> -> memref<1x125xi32, #tpu.memory_space<vmem>>
        %dma_wait3A_113 = tpu.memref_squeeze %dma_wait3A_112 : memref<1x125xi32, #tpu.memory_space<vmem>> -> memref<125xi32, #tpu.memory_space<vmem>>
        %dma_wait3A_114 = arith.constant 0 : i32
        %dma_wait3A_115 = arith.constant 0 : i32
        %dma_wait3A_116 = tpu.memref_slice %arg3[%dma_wait3A_114, %dma_wait3A_115] : memref<10000x128xbf16, #tpu.memory_space<hbm>> -> memref<10000x128xbf16, #tpu.memory_space<hbm>>
        tpu.wait_indirect_dma semaphore(%arg17 : memref<!tpu.dma_semaphore, #tpu.memory_space<semaphore_mem>>) src(%dma_wait3A_116 : memref<10000x128xbf16, #tpu.memory_space<hbm>>) dst(%arg12 : memref<125x128xbf16, #tpu.memory_space<vmem>>)
        %gt3A_117 = arith.constant 0 : i32
        %gt3A_118 = arith.cmpi sgt, %scan3A_81, %gt3A_117 : i32
        %convert_element_type3A_119 = arith.extui %gt3A_118 : i1 to i32
        %cond3A_120 = arith.constant 0 : i32
        %cond3A_121 = arith.cmpi ne, %convert_element_type3A_119, %cond3A_120 : i32
        scf.if %cond3A_121 {
          %sub3A_190 = arith.constant 2 : i32
          %sub3A_191 = arith.subi %add3A_110, %sub3A_190 : i32
          %dma_wait3A_192 = arith.constant 0 : i32
          %dma_wait3A_193 = tpu.memref_slice %arg10[%sub3A_191, %dma_wait3A_192] : memref<80x125xi32, #tpu.memory_space<vmem>> -> memref<1x125xi32, #tpu.memory_space<vmem>>
          %dma_wait3A_194 = tpu.memref_squeeze %dma_wait3A_193 : memref<1x125xi32, #tpu.memory_space<vmem>> -> memref<125xi32, #tpu.memory_space<vmem>>
          %dma_wait3A_195 = arith.constant 0 : i32
          %dma_wait3A_196 = arith.constant 0 : i32
          %dma_wait3A_197 = tpu.memref_slice %arg25[%dma_wait3A_195, %dma_wait3A_196] : memref<10000x128xbf16, #tpu.memory_space<vmem_shared>> -> memref<10000x128xbf16, #tpu.memory_space<vmem_shared>>
          tpu.wait_indirect_dma semaphore(%arg23 : memref<!tpu.dma_semaphore, #tpu.memory_space<semaphore_mem>>) src(%arg14 : memref<125x128xbf16, #tpu.memory_space<vmem>>) dst(%dma_wait3A_197 : memref<10000x128xbf16, #tpu.memory_space<vmem_shared>>)
        } else {
        }
        %add3A_122 = arith.constant 2 : i32
        %add3A_123 = arith.addi %add3A_110, %add3A_122 : i32
        %dma_start3A_124 = arith.constant 0 : i32
        %dma_start3A_125 = tpu.memref_slice %arg9[%add3A_123, %dma_start3A_124] : memref<80x125xi32, #tpu.memory_space<vmem>> -> memref<1x125xi32, #tpu.memory_space<vmem>>
        %dma_start3A_126 = tpu.memref_squeeze %dma_start3A_125 : memref<1x125xi32, #tpu.memory_space<vmem>> -> memref<125xi32, #tpu.memory_space<vmem>>
        %dma_start3A_127 = arith.constant 0 : i32
        %dma_start3A_128 = arith.constant 0 : i32
        %dma_start3A_129 = tpu.memref_slice %arg3[%dma_start3A_127, %dma_start3A_128] : memref<10000x128xbf16, #tpu.memory_space<hbm>> -> memref<10000x128xbf16, #tpu.memory_space<hbm>>
        tpu.enqueue_indirect_dma source(%dma_start3A_129 : memref<10000x128xbf16, #tpu.memory_space<hbm>>) target(%arg14 : memref<125x128xbf16, #tpu.memory_space<vmem>>) offsets(%dma_start3A_126 : memref<125xi32, #tpu.memory_space<vmem>>) semaphore(%arg19 : memref<!tpu.dma_semaphore, #tpu.memory_space<semaphore_mem>>)
        %dma_start3A_130 = arith.constant 0 : i32
        %dma_start3A_131 = tpu.memref_slice %arg10[%add3A_110, %dma_start3A_130] : memref<80x125xi32, #tpu.memory_space<vmem>> -> memref<1x125xi32, #tpu.memory_space<vmem>>
        %dma_start3A_132 = tpu.memref_squeeze %dma_start3A_131 : memref<1x125xi32, #tpu.memory_space<vmem>> -> memref<125xi32, #tpu.memory_space<vmem>>
        %dma_start3A_133 = arith.constant 0 : i32
        %dma_start3A_134 = arith.constant 0 : i32
        %dma_start3A_135 = tpu.memref_slice %arg25[%dma_start3A_133, %dma_start3A_134] : memref<10000x128xbf16, #tpu.memory_space<vmem_shared>> -> memref<10000x128xbf16, #tpu.memory_space<vmem_shared>>
        tpu.enqueue_indirect_dma source(%arg12 : memref<125x128xbf16, #tpu.memory_space<vmem>>) target(%dma_start3A_135 : memref<10000x128xbf16, #tpu.memory_space<vmem_shared>>) offsets(%dma_start3A_132 : memref<125xi32, #tpu.memory_space<vmem>>) semaphore(%arg21 : memref<!tpu.dma_semaphore, #tpu.memory_space<semaphore_mem>>) {add = true}
        %add3A_136 = arith.constant 2 : i32
        %add3A_137 = arith.addi %mul3A_83, %add3A_136 : i32
        %dma_wait3A_138 = arith.constant 0 : i32
        %dma_wait3A_139 = tpu.memref_slice %arg9[%add3A_137, %dma_wait3A_138] : memref<80x125xi32, #tpu.memory_space<vmem>> -> memref<1x125xi32, #tpu.memory_space<vmem>>
        %dma_wait3A_140 = tpu.memref_squeeze %dma_wait3A_139 : memref<1x125xi32, #tpu.memory_space<vmem>> -> memref<125xi32, #tpu.memory_space<vmem>>
        %dma_wait3A_141 = arith.constant 0 : i32
        %dma_wait3A_142 = arith.constant 0 : i32
        %dma_wait3A_143 = tpu.memref_slice %arg3[%dma_wait3A_141, %dma_wait3A_142] : memref<10000x128xbf16, #tpu.memory_space<hbm>> -> memref<10000x128xbf16, #tpu.memory_space<hbm>>
        tpu.wait_indirect_dma semaphore(%arg18 : memref<!tpu.dma_semaphore, #tpu.memory_space<semaphore_mem>>) src(%dma_wait3A_143 : memref<10000x128xbf16, #tpu.memory_space<hbm>>) dst(%arg13 : memref<125x128xbf16, #tpu.memory_space<vmem>>)
        %sub3A = arith.constant 2 : i32
        %sub3A_144 = arith.subi %add3A_137, %sub3A : i32
        %dma_wait3A_145 = arith.constant 0 : i32
        %dma_wait3A_146 = tpu.memref_slice %arg10[%sub3A_144, %dma_wait3A_145] : memref<80x125xi32, #tpu.memory_space<vmem>> -> memref<1x125xi32, #tpu.memory_space<vmem>>
        %dma_wait3A_147 = tpu.memref_squeeze %dma_wait3A_146 : memref<1x125xi32, #tpu.memory_space<vmem>> -> memref<125xi32, #tpu.memory_space<vmem>>
        %dma_wait3A_148 = arith.constant 0 : i32
        %dma_wait3A_149 = arith.constant 0 : i32
        %dma_wait3A_150 = tpu.memref_slice %arg25[%dma_wait3A_148, %dma_wait3A_149] : memref<10000x128xbf16, #tpu.memory_space<vmem_shared>> -> memref<10000x128xbf16, #tpu.memory_space<vmem_shared>>
        tpu.wait_indirect_dma semaphore(%arg20 : memref<!tpu.dma_semaphore, #tpu.memory_space<semaphore_mem>>) src(%arg11 : memref<125x128xbf16, #tpu.memory_space<vmem>>) dst(%dma_wait3A_150 : memref<10000x128xbf16, #tpu.memory_space<vmem_shared>>)
        %lt3A_151 = arith.constant 19 : i32
        %lt3A_152 = arith.cmpi slt, %scan3A_81, %lt3A_151 : i32
        %convert_element_type3A_153 = arith.extui %lt3A_152 : i1 to i32
        %cond3A_154 = arith.constant 0 : i32
        %cond3A_155 = arith.cmpi ne, %convert_element_type3A_153, %cond3A_154 : i32
        scf.if %cond3A_155 {
          %add3A_190 = arith.constant 2 : i32
          %add3A_191 = arith.addi %add3A_137, %add3A_190 : i32
          %dma_start3A_192 = arith.constant 0 : i32
          %dma_start3A_193 = tpu.memref_slice %arg9[%add3A_191, %dma_start3A_192] : memref<80x125xi32, #tpu.memory_space<vmem>> -> memref<1x125xi32, #tpu.memory_space<vmem>>
          %dma_start3A_194 = tpu.memref_squeeze %dma_start3A_193 : memref<1x125xi32, #tpu.memory_space<vmem>> -> memref<125xi32, #tpu.memory_space<vmem>>
          %dma_start3A_195 = arith.constant 0 : i32
          %dma_start3A_196 = arith.constant 0 : i32
          %dma_start3A_197 = tpu.memref_slice %arg3[%dma_start3A_195, %dma_start3A_196] : memref<10000x128xbf16, #tpu.memory_space<hbm>> -> memref<10000x128xbf16, #tpu.memory_space<hbm>>
          tpu.enqueue_indirect_dma source(%dma_start3A_197 : memref<10000x128xbf16, #tpu.memory_space<hbm>>) target(%arg11 : memref<125x128xbf16, #tpu.memory_space<vmem>>) offsets(%dma_start3A_194 : memref<125xi32, #tpu.memory_space<vmem>>) semaphore(%arg16 : memref<!tpu.dma_semaphore, #tpu.memory_space<semaphore_mem>>)
        } else {
        }
        %dma_start3A_156 = arith.constant 0 : i32
        %dma_start3A_157 = tpu.memref_slice %arg10[%add3A_137, %dma_start3A_156] : memref<80x125xi32, #tpu.memory_space<vmem>> -> memref<1x125xi32, #tpu.memory_space<vmem>>
        %dma_start3A_158 = tpu.memref_squeeze %dma_start3A_157 : memref<1x125xi32, #tpu.memory_space<vmem>> -> memref<125xi32, #tpu.memory_space<vmem>>
        %dma_start3A_159 = arith.constant 0 : i32
        %dma_start3A_160 = arith.constant 0 : i32
        %dma_start3A_161 = tpu.memref_slice %arg25[%dma_start3A_159, %dma_start3A_160] : memref<10000x128xbf16, #tpu.memory_space<vmem_shared>> -> memref<10000x128xbf16, #tpu.memory_space<vmem_shared>>
        tpu.enqueue_indirect_dma source(%arg13 : memref<125x128xbf16, #tpu.memory_space<vmem>>) target(%dma_start3A_161 : memref<10000x128xbf16, #tpu.memory_space<vmem_shared>>) offsets(%dma_start3A_158 : memref<125xi32, #tpu.memory_space<vmem>>) semaphore(%arg22 : memref<!tpu.dma_semaphore, #tpu.memory_space<semaphore_mem>>) {add = true}
        %add3A_162 = arith.constant 3 : i32
        %add3A_163 = arith.addi %mul3A_83, %add3A_162 : i32
        %dma_wait3A_164 = arith.constant 0 : i32
        %dma_wait3A_165 = tpu.memref_slice %arg9[%add3A_163, %dma_wait3A_164] : memref<80x125xi32, #tpu.memory_space<vmem>> -> memref<1x125xi32, #tpu.memory_space<vmem>>
        %dma_wait3A_166 = tpu.memref_squeeze %dma_wait3A_165 : memref<1x125xi32, #tpu.memory_space<vmem>> -> memref<125xi32, #tpu.memory_space<vmem>>
        %dma_wait3A_167 = arith.constant 0 : i32
        %dma_wait3A_168 = arith.constant 0 : i32
        %dma_wait3A_169 = tpu.memref_slice %arg3[%dma_wait3A_167, %dma_wait3A_168] : memref<10000x128xbf16, #tpu.memory_space<hbm>> -> memref<10000x128xbf16, #tpu.memory_space<hbm>>
        tpu.wait_indirect_dma semaphore(%arg19 : memref<!tpu.dma_semaphore, #tpu.memory_space<semaphore_mem>>) src(%dma_wait3A_169 : memref<10000x128xbf16, #tpu.memory_space<hbm>>) dst(%arg14 : memref<125x128xbf16, #tpu.memory_space<vmem>>)
        %sub3A_170 = arith.constant 2 : i32
        %sub3A_171 = arith.subi %add3A_163, %sub3A_170 : i32
        %dma_wait3A_172 = arith.constant 0 : i32
        %dma_wait3A_173 = tpu.memref_slice %arg10[%sub3A_171, %dma_wait3A_172] : memref<80x125xi32, #tpu.memory_space<vmem>> -> memref<1x125xi32, #tpu.memory_space<vmem>>
        %dma_wait3A_174 = tpu.memref_squeeze %dma_wait3A_173 : memref<1x125xi32, #tpu.memory_space<vmem>> -> memref<125xi32, #tpu.memory_space<vmem>>
        %dma_wait3A_175 = arith.constant 0 : i32
        %dma_wait3A_176 = arith.constant 0 : i32
        %dma_wait3A_177 = tpu.memref_slice %arg25[%dma_wait3A_175, %dma_wait3A_176] : memref<10000x128xbf16, #tpu.memory_space<vmem_shared>> -> memref<10000x128xbf16, #tpu.memory_space<vmem_shared>>
        tpu.wait_indirect_dma semaphore(%arg21 : memref<!tpu.dma_semaphore, #tpu.memory_space<semaphore_mem>>) src(%arg12 : memref<125x128xbf16, #tpu.memory_space<vmem>>) dst(%dma_wait3A_177 : memref<10000x128xbf16, #tpu.memory_space<vmem_shared>>)
        %lt3A_178 = arith.constant 19 : i32
        %lt3A_179 = arith.cmpi slt, %scan3A_81, %lt3A_178 : i32
        %convert_element_type3A_180 = arith.extui %lt3A_179 : i1 to i32
        %cond3A_181 = arith.constant 0 : i32
        %cond3A_182 = arith.cmpi ne, %convert_element_type3A_180, %cond3A_181 : i32
        scf.if %cond3A_182 {
          %add3A_190 = arith.constant 2 : i32
          %add3A_191 = arith.addi %add3A_163, %add3A_190 : i32
          %dma_start3A_192 = arith.constant 0 : i32
          %dma_start3A_193 = tpu.memref_slice %arg9[%add3A_191, %dma_start3A_192] : memref<80x125xi32, #tpu.memory_space<vmem>> -> memref<1x125xi32, #tpu.memory_space<vmem>>
          %dma_start3A_194 = tpu.memref_squeeze %dma_start3A_193 : memref<1x125xi32, #tpu.memory_space<vmem>> -> memref<125xi32, #tpu.memory_space<vmem>>
          %dma_start3A_195 = arith.constant 0 : i32
          %dma_start3A_196 = arith.constant 0 : i32
          %dma_start3A_197 = tpu.memref_slice %arg3[%dma_start3A_195, %dma_start3A_196] : memref<10000x128xbf16, #tpu.memory_space<hbm>> -> memref<10000x128xbf16, #tpu.memory_space<hbm>>
          tpu.enqueue_indirect_dma source(%dma_start3A_197 : memref<10000x128xbf16, #tpu.memory_space<hbm>>) target(%arg12 : memref<125x128xbf16, #tpu.memory_space<vmem>>) offsets(%dma_start3A_194 : memref<125xi32, #tpu.memory_space<vmem>>) semaphore(%arg17 : memref<!tpu.dma_semaphore, #tpu.memory_space<semaphore_mem>>)
        } else {
        }
        %dma_start3A_183 = arith.constant 0 : i32
        %dma_start3A_184 = tpu.memref_slice %arg10[%add3A_163, %dma_start3A_183] : memref<80x125xi32, #tpu.memory_space<vmem>> -> memref<1x125xi32, #tpu.memory_space<vmem>>
        %dma_start3A_185 = tpu.memref_squeeze %dma_start3A_184 : memref<1x125xi32, #tpu.memory_space<vmem>> -> memref<125xi32, #tpu.memory_space<vmem>>
        %dma_start3A_186 = arith.constant 0 : i32
        %dma_start3A_187 = arith.constant 0 : i32
        %dma_start3A_188 = tpu.memref_slice %arg25[%dma_start3A_186, %dma_start3A_187] : memref<10000x128xbf16, #tpu.memory_space<vmem_shared>> -> memref<10000x128xbf16, #tpu.memory_space<vmem_shared>>
        tpu.enqueue_indirect_dma source(%arg14 : memref<125x128xbf16, #tpu.memory_space<vmem>>) target(%dma_start3A_188 : memref<10000x128xbf16, #tpu.memory_space<vmem_shared>>) offsets(%dma_start3A_185 : memref<125xi32, #tpu.memory_space<vmem>>) semaphore(%arg23 : memref<!tpu.dma_semaphore, #tpu.memory_space<semaphore_mem>>) {add = true}
        %scan3A_189 = arith.constant 0 : i32
        scf.yield %scan3A_189 : i32
      }
      %scan3A_60 = arith.constant 20 : i32
      %dma_wait3A_61 = arith.constant 78 : i32
      %dma_wait3A_62 = arith.constant 0 : i32
      %dma_wait3A_63 = tpu.memref_slice %arg10[%dma_wait3A_61, %dma_wait3A_62] : memref<80x125xi32, #tpu.memory_space<vmem>> -> memref<1x125xi32, #tpu.memory_space<vmem>>
      %dma_wait3A_64 = tpu.memref_squeeze %dma_wait3A_63 : memref<1x125xi32, #tpu.memory_space<vmem>> -> memref<125xi32, #tpu.memory_space<vmem>>
      %dma_wait3A_65 = arith.constant 0 : i32
      %dma_wait3A_66 = arith.constant 0 : i32
      %dma_wait3A_67 = tpu.memref_slice %arg25[%dma_wait3A_65, %dma_wait3A_66] : memref<10000x128xbf16, #tpu.memory_space<vmem_shared>> -> memref<10000x128xbf16, #tpu.memory_space<vmem_shared>>
      tpu.wait_indirect_dma semaphore(%arg22 : memref<!tpu.dma_semaphore, #tpu.memory_space<semaphore_mem>>) src(%arg13 : memref<125x128xbf16, #tpu.memory_space<vmem>>) dst(%dma_wait3A_67 : memref<10000x128xbf16, #tpu.memory_space<vmem_shared>>)
      %dma_wait3A_68 = arith.constant 79 : i32
      %dma_wait3A_69 = arith.constant 0 : i32
      %dma_wait3A_70 = tpu.memref_slice %arg10[%dma_wait3A_68, %dma_wait3A_69] : memref<80x125xi32, #tpu.memory_space<vmem>> -> memref<1x125xi32, #tpu.memory_space<vmem>>
      %dma_wait3A_71 = tpu.memref_squeeze %dma_wait3A_70 : memref<1x125xi32, #tpu.memory_space<vmem>> -> memref<125xi32, #tpu.memory_space<vmem>>
      %dma_wait3A_72 = arith.constant 0 : i32
      %dma_wait3A_73 = arith.constant 0 : i32
      %dma_wait3A_74 = tpu.memref_slice %arg25[%dma_wait3A_72, %dma_wait3A_73] : memref<10000x128xbf16, #tpu.memory_space<vmem_shared>> -> memref<10000x128xbf16, #tpu.memory_space<vmem_shared>>
      tpu.wait_indirect_dma semaphore(%arg23 : memref<!tpu.dma_semaphore, #tpu.memory_space<semaphore_mem>>) src(%arg14 : memref<125x128xbf16, #tpu.memory_space<vmem>>) dst(%dma_wait3A_74 : memref<10000x128xbf16, #tpu.memory_space<vmem_shared>>)
      %barrier3A_75 = arith.constant 0 : index
      tpu.barrier barrier_id(%barrier3A_75)
      %lt3A_76 = arith.constant 10 : i32
      %lt3A_77 = arith.cmpi slt, %arg1, %lt3A_76 : i32
      %convert_element_type3A_78 = arith.extui %lt3A_77 : i1 to i32
      %cond3A_79 = arith.constant 0 : i32
      %cond3A_80 = arith.cmpi ne, %convert_element_type3A_78, %cond3A_79 : i32
      scf.if %cond3A_80 {
        %scan3A_81 = arith.constant 0 : i32
        %scan3A_82 = arith.constant 0 : i32
        %scan3A_83 = arith.constant 5 : i32
        %scan3A_84 = arith.addi %scan3A_82, %scan3A_83 : i32
        %scan3A_85 = arith.constant 1 : i32
        %scan3A_86 = scf.for %scan3A_88 = %scan3A_82 to %scan3A_84 step %scan3A_85 iter_args(%scan3A_89 = %scan3A_81) -> (i32)  : i32 {
          %mul3A = arith.constant 1000 : i32
          %mul3A_90 = arith.muli %arg1, %mul3A : i32
          %mul3A_91 = arith.constant 200 : i32
          %mul3A_92 = arith.muli %scan3A_88, %mul3A_91 : i32
          %add3A = arith.addi %mul3A_90, %mul3A_92 : i32
          "tpu.region"() ({
            %run_scoped3A = tpu.sem_alloc : memref<!tpu.dma_semaphore, #tpu.memory_space<semaphore_mem>>
            %dma_start3A_94 = arith.constant 0 : i32
            %dma_start3A_95 = tpu.memref_slice %arg25[%add3A, %dma_start3A_94] : memref<10000x128xbf16, #tpu.memory_space<vmem_shared>> -> memref<200x128xbf16, #tpu.memory_space<vmem_shared>>
            %dma_start3A_96 = arith.constant 0 : i32
            %dma_start3A_97 = tpu.memref_slice %arg25[%add3A, %dma_start3A_96] : memref<10000x128xbf16, #tpu.memory_space<vmem_shared>> -> memref<200x128xbf16, #tpu.memory_space<vmem_shared>>
            tpu.enqueue_dma source(%dma_start3A_97 : memref<200x128xbf16, #tpu.memory_space<vmem_shared>>) target(%arg15 : memref<200x128xbf16, #tpu.memory_space<vmem>>) target_semaphore(%run_scoped3A : memref<!tpu.dma_semaphore, #tpu.memory_space<semaphore_mem>>)
            %dma_wait3A_98 = arith.constant 0 : i32
            %dma_wait3A_99 = tpu.memref_slice %arg25[%add3A, %dma_wait3A_98] : memref<10000x128xbf16, #tpu.memory_space<vmem_shared>> -> memref<200x128xbf16, #tpu.memory_space<vmem_shared>>
            %dma_wait3A_100 = arith.constant 0 : i32
            %dma_wait3A_101 = tpu.memref_slice %arg25[%add3A, %dma_wait3A_100] : memref<10000x128xbf16, #tpu.memory_space<vmem_shared>> -> memref<200x128xbf16, #tpu.memory_space<vmem_shared>>
            tpu.wait_dma2 semaphore(%run_scoped3A : memref<!tpu.dma_semaphore, #tpu.memory_space<semaphore_mem>>) src(%dma_wait3A_101 : memref<200x128xbf16, #tpu.memory_space<vmem_shared>>) dst(%arg15 : memref<200x128xbf16, #tpu.memory_space<vmem>>)
            tpu.yield
          }) : () -> ()
          "tpu.region"() ({
            %run_scoped3A = tpu.sem_alloc : memref<!tpu.dma_semaphore, #tpu.memory_space<semaphore_mem>>
            %dma_start3A_94 = arith.constant 0 : i32
            %dma_start3A_95 = tpu.memref_slice %arg8[%add3A, %dma_start3A_94] : memref<10000x128xbf16, #tpu.memory_space<hbm>> -> memref<200x128xbf16, #tpu.memory_space<hbm>>
            %dma_start3A_96 = arith.constant 0 : i32
            %dma_start3A_97 = tpu.memref_slice %arg8[%add3A, %dma_start3A_96] : memref<10000x128xbf16, #tpu.memory_space<hbm>> -> memref<200x128xbf16, #tpu.memory_space<hbm>>
            tpu.enqueue_dma source(%arg15 : memref<200x128xbf16, #tpu.memory_space<vmem>>) target(%dma_start3A_97 : memref<200x128xbf16, #tpu.memory_space<hbm>>) target_semaphore(%run_scoped3A : memref<!tpu.dma_semaphore, #tpu.memory_space<semaphore_mem>>)
            %dma_wait3A_98 = arith.constant 0 : i32
            %dma_wait3A_99 = tpu.memref_slice %arg8[%add3A, %dma_wait3A_98] : memref<10000x128xbf16, #tpu.memory_space<hbm>> -> memref<200x128xbf16, #tpu.memory_space<hbm>>
            %dma_wait3A_100 = arith.constant 0 : i32
            %dma_wait3A_101 = tpu.memref_slice %arg8[%add3A, %dma_wait3A_100] : memref<10000x128xbf16, #tpu.memory_space<hbm>> -> memref<200x128xbf16, #tpu.memory_space<hbm>>
            tpu.wait_dma2 semaphore(%run_scoped3A : memref<!tpu.dma_semaphore, #tpu.memory_space<semaphore_mem>>) src(%arg15 : memref<200x128xbf16, #tpu.memory_space<vmem>>) dst(%dma_wait3A_101 : memref<200x128xbf16, #tpu.memory_space<hbm>>)
            tpu.yield
          }) : () -> ()
          %scan3A_93 = arith.constant 0 : i32
          scf.yield %scan3A_93 : i32
        }
        %scan3A_87 = arith.constant 5 : i32
      } else {
      }
    } else {
    }
    return
  }
}

module attributes {stable_mosaic.version = 14 : i64} {
  func.func @_scale_body(%arg0: i32, %arg1: memref<2000x1xf32, #tpu.memory_space<vmem>>, %arg2: memref<2000x1xf32, #tpu.memory_space<vmem>>, %arg3: memref<2000x256xf32, #tpu.memory_space<vmem>>, %arg4: memref<2000x128xbf16, #tpu.memory_space<vmem>>, %arg5: memref<2000x128xbf16, #tpu.memory_space<vmem>>, %arg6: memref<2000x1xf32, #tpu.memory_space<vmem>>) attributes {dimension_semantics = [#tpu.dimension_semantics<arbitrary>], iteration_bounds = array<i64: 5>, scalar_prefetch = 0 : i64, scratch_operands = 0 : i64, tpu.core_type = #tpu.core_type<tc>, window_params = [{transform_indices = @transform_0, window_bounds = array<i64: 2000, 1>}, {transform_indices = @transform_1, window_bounds = array<i64: 2000, 1>}, {transform_indices = @transform_2, window_bounds = array<i64: 2000, 256>}, {transform_indices = @transform_3, window_bounds = array<i64: 2000, 128>}, {transform_indices = @transform_4, window_bounds = array<i64: 2000, 128>}, {transform_indices = @transform_5, window_bounds = array<i64: 2000, 1>}]} {
    %get3A = arith.constant 0 : index
    %get3A_0 = arith.constant 0 : index
    %get3A_1 = vector.load %arg1[%get3A, %get3A_0] : memref<2000x1xf32, #tpu.memory_space<vmem>>, vector<2000x1xf32>
    %get3A_2 = arith.constant 0 : index
    %get3A_3 = arith.constant 0 : index
    %get3A_4 = vector.load %arg2[%get3A_2, %get3A_3] : memref<2000x1xf32, #tpu.memory_space<vmem>>, vector<2000x1xf32>
    %add3A = arith.addf %get3A_1, %get3A_4 : vector<2000x1xf32>
    %add3A_5 = arith.constant 1.000000e+00 : f32
    %add3A_6 = vector.broadcast %add3A_5 : f32 to vector<2000x1xf32>
    %add3A_7 = arith.addf %add3A, %add3A_6 : vector<2000x1xf32>
    %rsqrt3A = math.rsqrt %add3A_7 : vector<2000x1xf32>
    %get3A_8 = arith.constant 0 : index
    %get3A_9 = arith.constant 0 : index
    %get3A_10 = vector.load %arg3[%get3A_8, %get3A_9] : memref<2000x256xf32, #tpu.memory_space<vmem>>, vector<2000x256xf32>
    %slice3A = vector.extract_strided_slice %get3A_10 {offsets = [0, 0], sizes = [2000, 128], strides = [1, 1]} : vector<2000x256xf32> to vector<2000x128xf32>
    %mul3A = vector.broadcast %rsqrt3A : vector<2000x1xf32> to vector<2000x128xf32>
    %mul3A_11 = arith.mulf %mul3A, %slice3A : vector<2000x128xf32>
    %convert_element_type3A = arith.truncf %mul3A_11 : vector<2000x128xf32> to vector<2000x128xbf16>
    %swap3A = arith.constant 0 : index
    %swap3A_12 = arith.constant 0 : index
    %swap3A_13 = vector.load %arg4[%swap3A, %swap3A_12] : memref<2000x128xbf16, #tpu.memory_space<vmem>>, vector<2000x128xbf16>
    tpu.vector_store %arg4[%swap3A, %swap3A_12], %convert_element_type3A {strides = array<i32>} : memref<2000x128xbf16, #tpu.memory_space<vmem>>, vector<2000x128xbf16>,
    %slice3A_14 = vector.extract_strided_slice %get3A_10 {offsets = [0, 128], sizes = [2000, 128], strides = [1, 1]} : vector<2000x256xf32> to vector<2000x128xf32>
    %mul3A_15 = vector.broadcast %rsqrt3A : vector<2000x1xf32> to vector<2000x128xf32>
    %mul3A_16 = arith.mulf %mul3A_15, %slice3A_14 : vector<2000x128xf32>
    %convert_element_type3A_17 = arith.truncf %mul3A_16 : vector<2000x128xf32> to vector<2000x128xbf16>
    %swap3A_18 = arith.constant 0 : index
    %swap3A_19 = arith.constant 0 : index
    %swap3A_20 = vector.load %arg5[%swap3A_18, %swap3A_19] : memref<2000x128xbf16, #tpu.memory_space<vmem>>, vector<2000x128xbf16>
    tpu.vector_store %arg5[%swap3A_18, %swap3A_19], %convert_element_type3A_17 {strides = array<i32>} : memref<2000x128xbf16, #tpu.memory_space<vmem>>, vector<2000x128xbf16>,
    %swap3A_21 = arith.constant 0 : index
    %swap3A_22 = arith.constant 0 : index
    %swap3A_23 = vector.load %arg6[%swap3A_21, %swap3A_22] : memref<2000x1xf32, #tpu.memory_space<vmem>>, vector<2000x1xf32>
    tpu.vector_store %arg6[%swap3A_21, %swap3A_22], %rsqrt3A {strides = array<i32>} : memref<2000x1xf32, #tpu.memory_space<vmem>>, vector<2000x1xf32>,
    return
  }
  func.func @transform_0(%arg0: i32) -> (i32, i32) {
    %c0_i32 = arith.constant 0 : i32
    %c0_i32_0 = arith.constant 0 : i32
    return %arg0, %c0_i32 : i32, i32
  }
  func.func @transform_1(%arg0: i32) -> (i32, i32) {
    %c0_i32 = arith.constant 0 : i32
    %c0_i32_0 = arith.constant 0 : i32
    return %arg0, %c0_i32 : i32, i32
  }
  func.func @transform_2(%arg0: i32) -> (i32, i32) {
    %c0_i32 = arith.constant 0 : i32
    %c0_i32_0 = arith.constant 0 : i32
    return %arg0, %c0_i32 : i32, i32
  }
  func.func @transform_3(%arg0: i32) -> (i32, i32) {
    %c0_i32 = arith.constant 0 : i32
    %c0_i32_0 = arith.constant 0 : i32
    return %arg0, %c0_i32 : i32, i32
  }
  func.func @transform_4(%arg0: i32) -> (i32, i32) {
    %c0_i32 = arith.constant 0 : i32
    %c0_i32_0 = arith.constant 0 : i32
    return %arg0, %c0_i32 : i32, i32
  }
  func.func @transform_5(%arg0: i32) -> (i32, i32) {
    %c0_i32 = arith.constant 0 : i32
    %c0_i32_0 = arith.constant 0 : i32
    return %arg0, %c0_i32 : i32, i32
  }
}

module attributes {stable_mosaic.version = 14 : i64} {
  func.func @_head_body(%arg0: i32, %arg1: memref<2000x128xbf16, #tpu.memory_space<vmem>>, %arg2: memref<2000x128xbf16, #tpu.memory_space<vmem>>, %arg3: memref<2000x128xbf16, #tpu.memory_space<vmem>>, %arg4: memref<2000x128xbf16, #tpu.memory_space<vmem>>, %arg5: memref<2000x1xf32, #tpu.memory_space<vmem>>, %arg6: memref<2000x1xi32, #tpu.memory_space<vmem>>, %arg7: memref<256x256xf32, #tpu.memory_space<vmem>>, %arg8: memref<1x256xf32, #tpu.memory_space<vmem>>, %arg9: memref<256x1xf32, #tpu.memory_space<vmem>>, %arg10: memref<1x1xf32, #tpu.memory_space<vmem>>, %arg11: memref<64x1xf32, #tpu.memory_space<vmem>>, %arg12: memref<64x2xf32, #tpu.memory_space<vmem>>) attributes {dimension_semantics = [#tpu.dimension_semantics<arbitrary>], iteration_bounds = array<i64: 5>, scalar_prefetch = 0 : i64, scratch_operands = 1 : i64, tpu.core_type = #tpu.core_type<tc>, window_params = [{transform_indices = @transform_0, window_bounds = array<i64: 2000, 128>}, {transform_indices = @transform_1, window_bounds = array<i64: 2000, 128>}, {transform_indices = @transform_2, window_bounds = array<i64: 2000, 128>}, {transform_indices = @transform_3, window_bounds = array<i64: 2000, 128>}, {transform_indices = @transform_4, window_bounds = array<i64: 2000, 1>}, {transform_indices = @transform_5, window_bounds = array<i64: 2000, 1>}, {pipeline_mode = #tpu.pipeline_mode<synchronous>, transform_indices = @transform_6, window_bounds = array<i64: 256, 256>}, {pipeline_mode = #tpu.pipeline_mode<synchronous>, transform_indices = @transform_7, window_bounds = array<i64: 1, 256>}, {pipeline_mode = #tpu.pipeline_mode<synchronous>, transform_indices = @transform_8, window_bounds = array<i64: 256, 1>}, {pipeline_mode = #tpu.pipeline_mode<synchronous>, transform_indices = @transform_9, window_bounds = array<i64: 1, 1>}, {pipeline_mode = #tpu.pipeline_mode<synchronous>, transform_indices = @transform_10, window_bounds = array<i64: 64, 1>}]} {
    %get3A = arith.constant 0 : index
    %get3A_0 = arith.constant 0 : index
    %get3A_1 = vector.load %arg5[%get3A, %get3A_0] : memref<2000x1xf32, #tpu.memory_space<vmem>>, vector<2000x1xf32>
    %get3A_2 = arith.constant 0 : index
    %get3A_3 = arith.constant 0 : index
    %get3A_4 = vector.load %arg3[%get3A_2, %get3A_3] : memref<2000x128xbf16, #tpu.memory_space<vmem>>, vector<2000x128xbf16>
    %convert_element_type3A = arith.extf %get3A_4 : vector<2000x128xbf16> to vector<2000x128xf32>
    %get3A_5 = arith.constant 0 : index
    %get3A_6 = arith.constant 0 : index
    %get3A_7 = vector.load %arg1[%get3A_5, %get3A_6] : memref<2000x128xbf16, #tpu.memory_space<vmem>>, vector<2000x128xbf16>
    %convert_element_type3A_8 = arith.extf %get3A_7 : vector<2000x128xbf16> to vector<2000x128xf32>
    %add3A = arith.addf %convert_element_type3A, %convert_element_type3A_8 : vector<2000x128xf32>
    %get3A_9 = arith.constant 0 : index
    %get3A_10 = arith.constant 0 : index
    %get3A_11 = vector.load %arg4[%get3A_9, %get3A_10] : memref<2000x128xbf16, #tpu.memory_space<vmem>>, vector<2000x128xbf16>
    %convert_element_type3A_12 = arith.extf %get3A_11 : vector<2000x128xbf16> to vector<2000x128xf32>
    %get3A_13 = arith.constant 0 : index
    %get3A_14 = arith.constant 0 : index
    %get3A_15 = vector.load %arg2[%get3A_13, %get3A_14] : memref<2000x128xbf16, #tpu.memory_space<vmem>>, vector<2000x128xbf16>
    %convert_element_type3A_16 = arith.extf %get3A_15 : vector<2000x128xbf16> to vector<2000x128xf32>
    %add3A_17 = arith.addf %convert_element_type3A_12, %convert_element_type3A_16 : vector<2000x128xf32>
    %concatenate3A = tpu.concatenate %add3A, %add3A_17 in 1 : vector<2000x128xf32>, vector<2000x128xf32> -> vector<2000x256xf32>
    %mul3A = vector.broadcast %get3A_1 : vector<2000x1xf32> to vector<2000x256xf32>
    %mul3A_18 = arith.mulf %concatenate3A, %mul3A : vector<2000x256xf32>
    %get3A_19 = arith.constant 0 : index
    %get3A_20 = arith.constant 0 : index
    %get3A_21 = vector.load %arg7[%get3A_19, %get3A_20] : memref<256x256xf32, #tpu.memory_space<vmem>>, vector<256x256xf32>
    %dot_general3A = arith.constant dense<0.000000e+00> : vector<2000x256xf32>
    %dot_general3A_22 = tpu.matmul %mul3A_18, %get3A_21, %dot_general3A {dimension_numbers = #tpu.dot_dimension_numbers<[1], [0], [0], [1], [0, 0, 1, 1], [], []>, transpose_lhs_hint = false} : vector<2000x256xf32>, vector<256x256xf32>, vector<2000x256xf32> -> vector<2000x256xf32>
    %get3A_23 = arith.constant 0 : index
    %get3A_24 = arith.constant 0 : index
    %get3A_25 = vector.load %arg8[%get3A_23, %get3A_24] : memref<1x256xf32, #tpu.memory_space<vmem>>, vector<1x256xf32>
    %add3A_26 = vector.broadcast %get3A_25 : vector<1x256xf32> to vector<2000x256xf32>
    %add3A_27 = arith.addf %dot_general3A_22, %add3A_26 : vector<2000x256xf32>
    %gt3A = arith.constant 0.000000e+00 : f32
    %gt3A_28 = vector.broadcast %gt3A : f32 to vector<2000x256xf32>
    %gt3A_29 = arith.cmpf ogt, %add3A_27, %gt3A_28 : vector<2000x256xf32>
    %mul3A_30 = arith.constant 0.00999999977 : f32
    %mul3A_31 = vector.broadcast %mul3A_30 : f32 to vector<2000x256xf32>
    %mul3A_32 = arith.mulf %mul3A_31, %add3A_27 : vector<2000x256xf32>
    %select_n3A = arith.select %gt3A_29, %add3A_27, %mul3A_32 : vector<2000x256xi1>, vector<2000x256xf32>
    %get3A_33 = arith.constant 0 : index
    %get3A_34 = arith.constant 0 : index
    %get3A_35 = vector.load %arg9[%get3A_33, %get3A_34] : memref<256x1xf32, #tpu.memory_space<vmem>>, vector<256x1xf32>
    %dot_general3A_36 = arith.constant dense<0.000000e+00> : vector<2000x1xf32>
    %dot_general3A_37 = tpu.matmul %select_n3A, %get3A_35, %dot_general3A_36 {dimension_numbers = #tpu.dot_dimension_numbers<[1], [0], [0], [1], [0, 0, 1, 1], [], []>, transpose_lhs_hint = false} : vector<2000x256xf32>, vector<256x1xf32>, vector<2000x1xf32> -> vector<2000x1xf32>
    %get3A_38 = arith.constant 0 : index
    %get3A_39 = arith.constant 0 : index
    %get3A_40 = vector.load %arg6[%get3A_38, %get3A_39] : memref<2000x1xi32, #tpu.memory_space<vmem>>, vector<2000x1xi32>
    %iota3A = tpu.iota {dimensions = array<i32: 1>} : vector<2000x64xi32>
    %eq3A = vector.broadcast %get3A_40 : vector<2000x1xi32> to vector<2000x64xi32>
    %eq3A_41 = arith.cmpi eq, %eq3A, %iota3A : vector<2000x64xi32>
    %convert_element_type3A_42 = arith.extui %eq3A_41 : vector<2000x64xi1> to vector<2000x64xi32>
    %convert_element_type3A_43 = arith.sitofp %convert_element_type3A_42 : vector<2000x64xi32> to vector<2000x64xf32>
    %broadcast_in_dim3A = arith.constant 1.000000e+00 : f32
    %broadcast_in_dim3A_44 = vector.broadcast %broadcast_in_dim3A : f32 to vector<2000x1xf32>
    %concatenate3A_45 = tpu.concatenate %dot_general3A_37, %broadcast_in_dim3A_44 in 1 : vector<2000x1xf32>, vector<2000x1xf32> -> vector<2000x2xf32>
    %dot_general3A_46 = arith.constant dense<0.000000e+00> : vector<64x2xf32>
    %dot_general3A_47 = tpu.matmul %convert_element_type3A_43, %concatenate3A_45, %dot_general3A_46 {dimension_numbers = #tpu.dot_dimension_numbers<[0], [0], [1], [1], [0, 1, 1, 1], [], []>, transpose_lhs_hint = false} : vector<2000x64xf32>, vector<2000x2xf32>, vector<64x2xf32> -> vector<64x2xf32>
    %eq3A_48 = arith.constant 0 : i32
    %eq3A_49 = arith.cmpi eq, %arg0, %eq3A_48 : i32
    %convert_element_type3A_50 = arith.extui %eq3A_49 : i1 to i32
    %cond3A = arith.constant 0 : i32
    %cond3A_51 = arith.cmpi ne, %convert_element_type3A_50, %cond3A : i32
    scf.if %cond3A_51 {
      %broadcast_in_dim3A_63 = arith.constant 0.000000e+00 : f32
      %broadcast_in_dim3A_64 = vector.broadcast %broadcast_in_dim3A_63 : f32 to vector<64x2xf32>
      %swap3A_65 = arith.constant 0 : index
      %swap3A_66 = arith.constant 0 : index
      %swap3A_67 = vector.load %arg12[%swap3A_65, %swap3A_66] : memref<64x2xf32, #tpu.memory_space<vmem>>, vector<64x2xf32>
      tpu.vector_store %arg12[%swap3A_65, %swap3A_66], %broadcast_in_dim3A_64 {strides = array<i32>} : memref<64x2xf32, #tpu.memory_space<vmem>>, vector<64x2xf32>,
    } else {
    }
    %get3A_52 = arith.constant 0 : index
    %get3A_53 = arith.constant 0 : index
    %get3A_54 = vector.load %arg12[%get3A_52, %get3A_53] : memref<64x2xf32, #tpu.memory_space<vmem>>, vector<64x2xf32>
    %add3A_55 = arith.addf %get3A_54, %dot_general3A_47 : vector<64x2xf32>
    %swap3A = arith.constant 0 : index
    %swap3A_56 = arith.constant 0 : index
    %swap3A_57 = vector.load %arg12[%swap3A, %swap3A_56] : memref<64x2xf32, #tpu.memory_space<vmem>>, vector<64x2xf32>
    tpu.vector_store %arg12[%swap3A, %swap3A_56], %add3A_55 {strides = array<i32>} : memref<64x2xf32, #tpu.memory_space<vmem>>, vector<64x2xf32>,
    %eq3A_58 = arith.constant 4 : i32
    %eq3A_59 = arith.cmpi eq, %arg0, %eq3A_58 : i32
    %convert_element_type3A_60 = arith.extui %eq3A_59 : i1 to i32
    %cond3A_61 = arith.constant 0 : i32
    %cond3A_62 = arith.cmpi ne, %convert_element_type3A_60, %cond3A_61 : i32
    scf.if %cond3A_62 {
      %get3A_63 = arith.constant 0 : index
      %get3A_64 = arith.constant 0 : index
      %get3A_65 = vector.load %arg12[%get3A_63, %get3A_64] : memref<64x2xf32, #tpu.memory_space<vmem>>, vector<64x2xf32>
      %slice3A = vector.extract_strided_slice %get3A_65 {offsets = [0, 0], sizes = [64, 1], strides = [1, 1]} : vector<64x2xf32> to vector<64x1xf32>
      %slice3A_66 = vector.extract_strided_slice %get3A_65 {offsets = [0, 1], sizes = [64, 1], strides = [1, 1]} : vector<64x2xf32> to vector<64x1xf32>
      %max3A = arith.constant 1.000000e+00 : f32
      %max3A_67 = vector.broadcast %max3A : f32 to vector<64x1xf32>
      %max3A_68 = arith.maximumf %slice3A_66, %max3A_67 : vector<64x1xf32>
      %div3A = arith.divf %slice3A, %max3A_68 : vector<64x1xf32>
      %get3A_69 = arith.constant 0 : index
      %get3A_70 = arith.constant 0 : index
      %get3A_71 = vector.load %arg10[%get3A_69, %get3A_70] : memref<1x1xf32, #tpu.memory_space<vmem>>, vector<1x1xf32>
      %add3A_72 = vector.broadcast %get3A_71 : vector<1x1xf32> to vector<64x1xf32>
      %add3A_73 = arith.addf %div3A, %add3A_72 : vector<64x1xf32>
      %swap3A_74 = arith.constant 0 : index
      %swap3A_75 = arith.constant 0 : index
      %swap3A_76 = vector.load %arg11[%swap3A_74, %swap3A_75] : memref<64x1xf32, #tpu.memory_space<vmem>>, vector<64x1xf32>
      tpu.vector_store %arg11[%swap3A_74, %swap3A_75], %add3A_73 {strides = array<i32>} : memref<64x1xf32, #tpu.memory_space<vmem>>, vector<64x1xf32>,
    } else {
    }
    return
  }
  func.func @transform_0(%arg0: i32) -> (i32, i32) {
    %c0_i32 = arith.constant 0 : i32
    %c0_i32_0 = arith.constant 0 : i32
    return %arg0, %c0_i32 : i32, i32
  }
  func.func @transform_1(%arg0: i32) -> (i32, i32) {
    %c0_i32 = arith.constant 0 : i32
    %c0_i32_0 = arith.constant 0 : i32
    return %arg0, %c0_i32 : i32, i32
  }
  func.func @transform_2(%arg0: i32) -> (i32, i32) {
    %c0_i32 = arith.constant 0 : i32
    %c0_i32_0 = arith.constant 0 : i32
    return %arg0, %c0_i32 : i32, i32
  }
  func.func @transform_3(%arg0: i32) -> (i32, i32) {
    %c0_i32 = arith.constant 0 : i32
    %c0_i32_0 = arith.constant 0 : i32
    return %arg0, %c0_i32 : i32, i32
  }
  func.func @transform_4(%arg0: i32) -> (i32, i32) {
    %c0_i32 = arith.constant 0 : i32
    %c0_i32_0 = arith.constant 0 : i32
    return %arg0, %c0_i32 : i32, i32
  }
  func.func @transform_5(%arg0: i32) -> (i32, i32) {
    %c0_i32 = arith.constant 0 : i32
    %c0_i32_0 = arith.constant 0 : i32
    return %arg0, %c0_i32 : i32, i32
  }
  func.func @transform_6(%arg0: i32) -> (i32, i32) {
    %c0_i32 = arith.constant 0 : i32
    %c0_i32_0 = arith.constant 0 : i32
    %c0_i32_1 = arith.constant 0 : i32
    return %c0_i32, %c0_i32_0 : i32, i32
  }
  func.func @transform_7(%arg0: i32) -> (i32, i32) {
    %c0_i32 = arith.constant 0 : i32
    %c0_i32_0 = arith.constant 0 : i32
    %c0_i32_1 = arith.constant 0 : i32
    return %c0_i32, %c0_i32_0 : i32, i32
  }
  func.func @transform_8(%arg0: i32) -> (i32, i32) {
    %c0_i32 = arith.constant 0 : i32
    %c0_i32_0 = arith.constant 0 : i32
    %c0_i32_1 = arith.constant 0 : i32
    return %c0_i32, %c0_i32_0 : i32, i32
  }
  func.func @transform_9(%arg0: i32) -> (i32, i32) {
    %c0_i32 = arith.constant 0 : i32
    %c0_i32_0 = arith.constant 0 : i32
    %c0_i32_1 = arith.constant 0 : i32
    return %c0_i32, %c0_i32_0 : i32, i32
  }
  func.func @transform_10(%arg0: i32) -> (i32, i32) {
    %c0_i32 = arith.constant 0 : i32
    %c0_i32_0 = arith.constant 0 : i32
    %c0_i32_1 = arith.constant 0 : i32
    return %c0_i32, %c0_i32_0 : i32, i32
  }
}

</mosaic_0001>

<sc_bundles>
// kernel: kernel.6.cloned.1.call-start
scs
__scs_entry_jumppad:
0x0: {  	(pc) =	sbr.rel $0x88, $3  }
0x1: {  	(tag) =	ssettag $0x0;
	lr =	simm.s32 $0x1  }
0x2: {  	[smem:$0x3F9A] =	sst lr;
	_ =	strace $0xD0000000  }
0x3: {  	_ = 	snop  }
0x4: {  	_ = 	snop  }
0x5: {  	_ = 	snop  }
0x6: {  	_ = 	snop  }
0x7: {  	_ = 	snop  }
__scs_overlays_trampoline_lowered:
0x8: {  	[smem:$0x3FA9] =	sst s0  }
0x9: {  	[smem:$0x3FAA] =	sst s1  }
0xa: {  	[smem:$0x3FAB] =	sst s2  }
0xb: {  	[smem:$0x3FAC] =	sst s3  }
0xc: {  	[smem:$0x3FAD] =	sst s4  }
0xd: {  	[smem:$0x3FAE] =	sst s5  }
0xe: {  	[smem:$0x3FAF] =	sst s6  }
0xf: {  	[smem:$0x3FB0] =	sst s7  }
0x10: {  	[smem:$0x3FB1] =	sst s8  }
0x11: {  	[smem:$0x3FB2] =	sst s9;
	s0 =	simm.s32 @!p0 $0x0  }
0x12: {  	s1 =	sld [smem:$0x3F98];
	s0 =	simm.s32 @p0 $0x1  }
0x13: {  	[smem:$0x3FB3] =	sst s0;
	s0 =	simm.s32 @!p1 $0x0  }
0x14: {  	s2 =	sld [smem:$0x3F97];
	s0 =	simm.s32 @p1 $0x1  }
0x15: {  	[smem:$0x3FB4] =	sst s0;
	s0 =	simm.s32 @!p2 $0x0  }
0x16: {  	s3 =	sld [smem:$0x3FDB];
	s0 =	simm.s32 @p2 $0x1  }
0x17: {  	s4 =	simm.s32 $0x1BF5;
	[smem:$0x3FB6] =	sst s0  }
0x18: {  	s0 =	sld [smem:$0x3F99];
	_ =	swait.ge [sflag:s4], $0x0  }
0x19: {  	s7 =	sld [smem:$0x3F9A]  }
0x1a: {  	s8 =	sadd.s32 $0xFFFFE003, lr  }
0x1b: {  	s9 =	sadd.s32 $0xFFFFFEF7, lr;
	s5 =	simm.s32 $0xFFFFFFFF;
	p2 =	slt.u32 s8, $0xFFFFF086  }
0x1c: {  	p1 =	slt.u32 s9, $0xF7A;
	s5 =	simm.s32 @!p2 $0x0  }
0x1d: {  	s5 =	simm.s32 @p1 $0x1;
	p0 =	seq.s32 s7, s2  }
0x1e: {  	s7 =	smul.u32 @!p0 $0xF7A, s2;
	p2 =	seq.s32 @!p0 s5, $0x0  }
0x1f: {  	s9 =	smul.u32 $0xF7A, s1;
	s8 =	simm.s32 @!p0 $0x1BF5;
	p2 =	por !p2, p0  }
0x20: {  	[sflag:s8] =	ssyncset.s32 @!p0 $0xFFFFF086;
	s6 =	sadd.s32 @!p0 s3, s7;
	s7 =	simm.s32 @!p0 $0x108  }
0x21: {  	s3 =	sadd.s32 s3, s9;
	s6 =	sadd.s32 @!p0 $0x88, s6;
	s7 =	simm.s32 @p2 $0x1082  }
0x22: {  	[simem:s7], [sflag:s8] =	dma.local @!p0 [hbm:s6], $0xF7A  }
0x23: {  	s9 =	sor.u32 $0xD0000000, s2;
	s6 =	simm.s32 $0x108;
	_ =	swait.ge @!p0 [sflag:s8], $0x0  }
0x24: {  	s3 =	sadd.s32 $0x88, s3;
	s6 =	simm.s32 @!p1 $0x1082;
	[sflag:s4] =	ssyncset.s32 $0xFFFFF086  }
0x25: {  	[simem:s6], [sflag:s4] =	dma.local [hbm:s3], $0xF7A  }
0x26: {  	[smem:$0x3F9A] =	sst s1;
	(tag) =	ssettag s2;
	_ =	strace s9  }
0x27: {  	s1 =	sld [smem:$0x3FAA]  }
0x28: {  	s2 =	sld [smem:$0x3FAB]  }
0x29: {  	s4 =	sld [smem:$0x3FAD]  }
0x2a: {  	p0 =	seq.s32 s5, $0x0;
	s5 =	sld [smem:$0x3FAE]  }
0x2b: {  	s6 =	sld [smem:$0x3FAF]  }
0x2c: {  	s7 =	sld [smem:$0x3FB0]  }
0x2d: {  	s3 =	simm.s32 $0x108;
	s8 =	sld [smem:$0x3FB1]  }
0x2e: {  	s3 =	simm.s32 @!p0 $0x1082;
	s9 =	sld [smem:$0x3FB2]  }
0x2f: {  	lr =	sadd.s32 s0, s3;
	s0 =	sld [smem:$0x3FA9]  }
0x30: {  	s3 =	sld [smem:$0x3FAC]  }
0x31: {  	[smem:$0x3FB5] =	sst s10  }
0x32: {  	s10 =	sld [smem:$0x3FB3];
	_ =	sdelay $0x3  }
0x33: {  	p0 =	seq.s32 s10, $0x1;
	s10 =	sld [smem:$0x3FB5];
	_ =	sdelay $0x3  }
0x34: {  	[smem:$0x3FB5] =	sst s10  }
0x35: {  	s10 =	sld [smem:$0x3FB4];
	_ =	sdelay $0x3  }
0x36: {  	p1 =	seq.s32 s10, $0x1;
	s10 =	sld [smem:$0x3FB5];
	_ =	sdelay $0x3  }
0x37: {  	[smem:$0x3FB5] =	sst s10  }
0x38: {  	s10 =	sld [smem:$0x3FB6]  }
0x39: {  	_ = 	snop;
	(pc) =	sbr.ind lr, $3  }
0x3a: {  	_ = 	snop  }
0x3b: {  	_ = 	snop  }
0x3c: {  	p2 =	seq.s32 s10, $0x1;
	s10 =	sld [smem:$0x3FB5]  }
0x3d: {  	_ =	shalt  }
0x3e: {  	_ =	shalt  }
0x3f: {  	_ =	shalt  }
0x40: {  	_ =	shalt  }
0x41: {  	_ =	shalt  }
0x42: {  	_ =	shalt  }
0x43: {  	_ =	shalt  }
0x44: {  	_ =	shalt  }
0x45: {  	_ =	shalt  }
0x46: {  	_ =	shalt  }
0x47: {  	_ =	shalt  }
0x48: {  	_ =	shalt  }
0x49: {  	_ =	shalt  }
0x4a: {  	_ =	shalt  }
0x4b: {  	_ =	shalt  }
0x4c: {  	_ =	shalt  }
0x4d: {  	_ =	shalt  }
0x4e: {  	_ =	shalt  }
0x4f: {  	_ =	shalt  }
0x50: {  	_ =	shalt  }
0x51: {  	_ =	shalt  }
0x52: {  	_ =	shalt  }
0x53: {  	_ =	shalt  }
0x54: {  	_ =	shalt  }
0x55: {  	_ =	shalt  }
0x56: {  	_ =	shalt  }
0x57: {  	_ =	shalt  }
0x58: {  	_ =	shalt  }
0x59: {  	_ =	shalt  }
0x5a: {  	_ =	shalt  }
0x5b: {  	_ =	shalt  }
0x5c: {  	_ =	shalt  }
0x5d: {  	_ =	shalt  }
0x5e: {  	_ =	shalt  }
0x5f: {  	_ =	shalt  }
0x60: {  	_ =	shalt  }
0x61: {  	_ =	shalt  }
0x62: {  	_ =	shalt  }
0x63: {  	_ =	shalt  }
0x64: {  	_ =	shalt  }
0x65: {  	_ =	shalt  }
0x66: {  	_ =	shalt  }
0x67: {  	_ =	shalt  }
0x68: {  	_ =	shalt  }
0x69: {  	_ =	shalt  }
0x6a: {  	_ =	shalt  }
0x6b: {  	_ =	shalt  }
0x6c: {  	_ =	shalt  }
0x6d: {  	_ =	shalt  }
0x6e: {  	_ =	shalt  }
0x6f: {  	_ =	shalt  }
0x70: {  	_ =	shalt  }
0x71: {  	_ =	shalt  }
0x72: {  	_ =	shalt  }
0x73: {  	_ =	shalt  }
0x74: {  	_ =	shalt  }
0x75: {  	_ =	shalt  }
0x76: {  	_ =	shalt  }
0x77: {  	_ =	shalt  }
0x78: {  	_ =	shalt  }
0x79: {  	_ =	shalt  }
0x7a: {  	_ =	shalt  }
0x7b: {  	_ =	shalt  }
0x7c: {  	_ =	shalt  }
0x7d: {  	_ =	shalt  }
0x7e: {  	_ =	shalt  }
0x7f: {  	_ =	shalt  }
0x80: {  	_ =	shalt  }
0x81: {  	_ =	shalt  }
0x82: {  	_ =	shalt  }
0x83: {  	_ =	shalt  }
0x84: {  	_ =	shalt  }
0x85: {  	_ =	shalt  }
0x86: {  	_ =	shalt  }
0x87: {  	_ =	shalt  }
.Lfunc_end0:
.L_simem_size_0:
called_computation_lowered:
.L_overlay_start_0:
0x88: {  	s2 =	sld [smem:$0x3FD9]  }
0x89: {  	s3 =	sld [smem:$0x3FFE];
	_ =	sdelay $0x1  }
0x8a: {  	s1 =	srdreg.scid  }
0x8b: {  	s0 =	sand.u32 $0x1, s1  }
0x8c: {  	s17 =	sshll.u32 s0, $0xA;
	s2 =	sadd.s32 s3, s2  }
0x8d: {  	s2 =	sadd.s32 s2, s17  }
0x8e: {  	[smem:$0x3FC1] =	sst s2  }
0x8f: {  	_ = 	snop  }
0x90: {  	s2 =	sld [smem:$0x3FD0];
	(tm) =	ssettm $0x1  }
0x91: {  	s18 =	sld [smem:$0x3FFB];
	_ =	sdelay $0x3  }
0x92: {  	_ =	strace s18  }
0x93: {  	s3 =	sld [smem:$0x3FFC];
	_ =	sdelay $0x3  }
0x94: {  	_ =	strace s3  }
0x95: {  	s3 =	sld [smem:$0x3FFD];
	_ =	sdelay $0x3  }
0x96: {  	_ =	strace s3  }
0x97: {  	_ =	strace $0x8FFFFFFF  }
0x98: {  	s19 =	sld [smem:$0x3FDB];
	_ =	sdelay $0x1  }
0x99: {  	s4 =	simm.s32 $_scs_section_size  }
0x9a: {  	s5 =	simm.s32 $_size__tile_overlayer_lowered;
	s6 =	simm.s32 $_tile_overlayer_lowered  }
0x9b: {  	s22 =	simm.s32 $0x1BFF;
	s21 =	sshll.u32 s6, $0x1;
	s3 =	sadd.s32 s4, s19  }
0x9c: {  	s7 =	simm.s32 $0x0;
	s20 =	sshll.u32 s5, $0x1;
	s5 =	sadd.s32 s21, s3  }
0x9d: {  	[timem:s7], [sflag:s22] =	dma.local [hbm:s5], s20  }
0x9e: {  	_ =	swait.ge [sflag:s22], s20  }
0x9f: {  	s4 =	ssub.s32 $0x0, s20;
	[sflag:s22] =	ssyncset.done $0x0  }
0xa0: {  	[sflag:s22] =	ssyncadd.s32 s4;
	_ =	sdelay $0x1  }
0xa1: {  	s23 =	simm.s32 $0x1B8B  }
0xa2: {  	_ =	swait.ge [sflag:s23], $0x1  }
0xa3: {  	[sflag:s23] =	ssyncset.done $0x0  }
0xa4: {  	s25 =	simm.s32 $0x1B8E;
	s24 =	sld [smem:$0x3FFE];
	[sflag:s23] =	ssyncadd.s32 $0xFFFFFFFF  }
0xa5: {  	s26 =	simm.s32 $execute0_lowered;
	[smem:$0x3FD2] =	sst s25  }
0xa6: {  	s5 =	sshll.u32 s26, $0x1;
	_ =	strace $0x80000046;
	[dreg:$0x1] =	wrdreg $0xFFFFFFFF  }
0xa7: {  	s28 =	simm.s32 $_size_execute0_lowered;
	s3 =	sadd.s32 s3, s5;
	[dreg:$0x0] =	wrdreg $0x0  }
0xa8: {  	s5 =	sshll.u32 s28, $0x1;
	[dreg:$0x2] =	wrdreg s3  }
0xa9: {  	[dreg:$0x3] =	wrdreg s5  }
0xaa: {  	[dreg:$0x4] =	wrdreg $0xC0  }
0xab: {  	_ =	task [dreg:s7], $0x5FFFF  }
0xac: {  	[dreg:$0x1] =	wrdreg $0xFFFFFFFF  }
0xad: {  	[dreg:$0x0] =	wrdreg $0x60  }
0xae: {  	[dreg:$0x2] =	wrdreg s24  }
0xaf: {  	[dreg:$0x3] =	wrdreg s2  }
0xb0: {  	[dreg:$0x4] =	wrdreg $0x3C000  }
0xb1: {  	[dreg:$0x5] =	wrdreg $0x9  }
0xb2: {  	_ =	task.clear_ibuf [dreg:s7], $0x6FFFF;
	_ =	strace $0x90000046  }
0xb3: {  	s29 =	simm.s32 $0x9;
	_ =	strace $0x80000048  }
0xb4: {  	_ =	swait.ge [sflag:s29], $0x1  }
0xb5: {  	[sflag:s29] =	ssyncadd.s32 $0xFFFFFFFF  }
0xb6: {  	_ =	strace $0x90000048  }
0xb7: {  	_ =	sfence  }
0xb8: {  	s30 =	sld [smem:$0x0];
	_ =	sdelay $0x2  }
0xb9: {  	s31 =	sshll.u32 s1, $0xD;
	s1 =	sshrl.u32 s1, $0x2  }
0xba: {  	s3 =	sand.u32 $0x4000, s31;
	s1 =	sadd.s32 s1, s30  }
0xbb: {  	s0 =	sor.u32 s3, s0;
	s1 =	sshll.u32 s1, $0x11  }
0xbc: {  	s0 =	sor.u32 s1, s0  }
0xbd: {  	s0 =	sadd.s32 $0x8F2B, s0  }
0xbe: {  	[sflag:s0] =	ssyncadd.remote.s32 $0x1  }
0xbf: {  	_ =	sfence.sel $0xFFFF  }
0xc0: {  	[dreg:$0x0] =	wrdreg $0xFFFFFFFF;
	(pc) =	sbr.abs _section_cstart, $3  }
0xc1: {  	[dreg:$0x1] =	wrdreg $0xFFFFFFFF  }
0xc2: {  	_ =	task.clear_ibuf [dreg:s7], $0x2FFFF;
	_ =	strace $0x9FFFFFFF  }
0xc3: {  	(tm) =	ssettm $0x7FFFFFFF  }
tec
execute0_lowered:
.L_overlay_start_1:
0x0: {  	(tag) =	ssettag $0x1  }
0x1: {  	s0 =	rddreg [dreg:$0x0]  }
0x2: {  	s1 =	srdreg.scid;
	s2 =	rddreg [dreg:$0x2]  }
0x3: {  	s8 =	stileid.u32;
	s3 =	simm.s32 $0x0;
	s11 =	simm.s32 $0x1400  }
0x4: {  	s12 =	simm.s32 $0x7D;
	s17 =	simm.s32 $0xC80;
	s18 =	simm.s32 $0xD00  }
0x5: {  	s19 =	simm.s32 $0xD80;
	s20 =	simm.s32 $0xE00;
	s21 =	simm.s32 $0xE80  }
0x6: {  	s22 =	simm.s32 $0xF00;
	s23 =	simm.s32 $0xF80;
	s24 =	simm.s32 $0x1000  }
0x7: {  	s25 =	simm.s32 $0x1080;
	s28 =	simm.s32 $0x1180;
	s29 =	simm.s32 $0x1200  }
0x8: {  	s30 =	simm.s32 $0x1280;
	s31 =	simm.s32 $0x1300;
	s13 =	simm.s32 $0x0  }
0x9: {  	s1 =	sand.u32 $0x1, s1;
	[smem:$0x7FF] =	sst s3;
	s5 =	sadd.s32 $0x6C00, s0  }
0xa: {  	s6 =	sadd.s32 $0x7200, s0;
	p0 =	seq.s32 s8, $0x0;
	s4 =	sshll.u32 s1, $0x4  }
0xb: {  	_ =	strace $0x80000047;
	s7 =	ssub.s32 $0x2, s1;
	p1 =	seq.s32 s1, $0x1  }
0xc: {  	s1 =	sor.u32 s1, s8;
	s4 =	sor.u32 s8, s4;
	s10 =	sshrl.u32 s7, $0x1  }
0xd: {  	p1 =	por !p0, !p1;
	p0 =	sne.s32 s8, $0x0;
	p2 =	sne.s32 s1, $0x0  }
0xe: {  	s1 =	simm.s32 $0x1;
	s4 =	smul.u32 $0x280, s4;
	s26 =	ssub.s32 s7, s10  }
0xf: {  	p1 =	por !p1, !p1;
	s10 =	simm.s32 $0x2;
	s8 =	smax.u32 s26, $0x1  }
0x10: {  	s26 =	simm.s32 $0x1100;
	s9 =	sadd.s32 s4, s0;
	s4 =	sadd.s32 $0x6600, s0  }
0x11: {  	s0 =	simm.s32 $0x1380;
	s7 =	sadd.s32 $0x1600, s9;
	s9 =	sshrl.u32 @!p0 s2, $0x3  }
.LBB2_1:
0x12: {  	s14 =	simm.s32 @!p0 $0x1C02  }
0x13: {  	[spmem:s9], [sflag:s14] =	dma.local @!p0 [hbm:s4], $0x4F0  }
0x14: {  	s14 =	simm.s32 @!p0 $0x2  }
0x15: {  	_ =	swait.ge @!p0 [sflag:s14], $0x4F0  }
0x16: {  	[sflag:s14] =	ssyncset.done @!p0 $0x0  }
0x17: {  	[sflag:s14] =	ssyncadd.s32 @!p0 $0xFFFFFB10  }
0x18: {  	[bflag:$0x0] =	sbarrier.arrive $0xFFFF  }
0x19: {  	[tilespmem:s3], [sflag:$0x2] =	stream.linear.gather [hbm4b:s7+s3], $0x1400, $0x38;
	[tilespmem:$0x3E78] =	vst v63  }
0x1a: {  	_ =	swait.ge [sflag:s10], $0x1400  }
0x1b: {  	[sflag:s10] =	ssyncset.done $0x0  }
0x1c: {  	[sflag:s10] =	ssyncadd.s32 $0xFFFFEC00  }
0x1d: {  	s16 =	rddreg [dreg:$0x1]  }
0x1e: {  	[tilespmem:s11], [sflag:$0x2] =	stream.linear.gather [hbm4b:s16+s3], $0x80, $0x38;
	[tilespmem:$0x3E78] =	vst v63  }
0x1f: {  	_ =	swait.ge [sflag:s10], $0x80  }
0x20: {  	[sflag:s10] =	ssyncset.done $0x0  }
0x21: {  	[sflag:s10] =	ssyncadd.s32 $0xFFFFFF80  }
0x22: {  	[spmem:s2] =	stream.indirect.scatter.add.f32 [tilespmem:s11], [sflag:$0x1], $0x1, s3, s12, $0xb8;
	[tilespmem:$0x3E78] =	vst v63  }
0x23: {  	s15 =	simm.s32 $0x80  }
0x24: {  	[spmem:s2] =	stream.indirect.scatter.add.f32 [tilespmem:s11], [sflag:$0x1], $0x1, s15, s12, $0xb8;
	[tilespmem:$0x3E78] =	vst v63  }
0x25: {  	s16 =	simm.s32 $0x100  }
0x26: {  	[spmem:s2] =	stream.indirect.scatter.add.f32 [tilespmem:s11], [sflag:$0x1], $0x1, s16, s12, $0xb8;
	[tilespmem:$0x3E78] =	vst v63  }
0x27: {  	s15 =	simm.s32 $0x180  }
0x28: {  	[spmem:s2] =	stream.indirect.scatter.add.f32 [tilespmem:s11], [sflag:$0x1], $0x1, s15, s12, $0xb8;
	[tilespmem:$0x3E78] =	vst v63  }
0x29: {  	s16 =	simm.s32 $0x200  }
0x2a: {  	[spmem:s2] =	stream.indirect.scatter.add.f32 [tilespmem:s11], [sflag:$0x1], $0x1, s16, s12, $0xb8;
	[tilespmem:$0x3E78] =	vst v63  }
0x2b: {  	s15 =	simm.s32 $0x280  }
0x2c: {  	[spmem:s2] =	stream.indirect.scatter.add.f32 [tilespmem:s11], [sflag:$0x1], $0x1, s15, s12, $0xb8;
	[tilespmem:$0x3E78] =	vst v63  }
0x2d: {  	s16 =	simm.s32 $0x300  }
0x2e: {  	[spmem:s2] =	stream.indirect.scatter.add.f32 [tilespmem:s11], [sflag:$0x1], $0x1, s16, s12, $0xb8;
	[tilespmem:$0x3E78] =	vst v63  }
0x2f: {  	s15 =	simm.s32 $0x380  }
0x30: {  	[spmem:s2] =	stream.indirect.scatter.add.f32 [tilespmem:s11], [sflag:$0x1], $0x1, s15, s12, $0xb8;
	[tilespmem:$0x3E78] =	vst v63  }
0x31: {  	s16 =	simm.s32 $0x400  }
0x32: {  	[spmem:s2] =	stream.indirect.scatter.add.f32 [tilespmem:s11], [sflag:$0x1], $0x1, s16, s12, $0xb8;
	[tilespmem:$0x3E78] =	vst v63  }
0x33: {  	s15 =	simm.s32 $0x480  }
0x34: {  	[spmem:s2] =	stream.indirect.scatter.add.f32 [tilespmem:s11], [sflag:$0x1], $0x1, s15, s12, $0xb8;
	[tilespmem:$0x3E78] =	vst v63  }
0x35: {  	s16 =	simm.s32 $0x500  }
0x36: {  	[spmem:s2] =	stream.indirect.scatter.add.f32 [tilespmem:s11], [sflag:$0x1], $0x1, s16, s12, $0xb8;
	[tilespmem:$0x3E78] =	vst v63  }
0x37: {  	s15 =	simm.s32 $0x580  }
0x38: {  	[spmem:s2] =	stream.indirect.scatter.add.f32 [tilespmem:s11], [sflag:$0x1], $0x1, s15, s12, $0xb8;
	[tilespmem:$0x3E78] =	vst v63  }
0x39: {  	s16 =	simm.s32 $0x600  }
0x3a: {  	[spmem:s2] =	stream.indirect.scatter.add.f32 [tilespmem:s11], [sflag:$0x1], $0x1, s16, s12, $0xb8;
	[tilespmem:$0x3E78] =	vst v63  }
0x3b: {  	s15 =	simm.s32 $0x680  }
0x3c: {  	[spmem:s2] =	stream.indirect.scatter.add.f32 [tilespmem:s11], [sflag:$0x1], $0x1, s15, s12, $0xb8;
	[tilespmem:$0x3E78] =	vst v63  }
0x3d: {  	s16 =	simm.s32 $0x700  }
0x3e: {  	[spmem:s2] =	stream.indirect.scatter.add.f32 [tilespmem:s11], [sflag:$0x1], $0x1, s16, s12, $0xb8;
	[tilespmem:$0x3E78] =	vst v63  }
0x3f: {  	s15 =	simm.s32 $0x780  }
0x40: {  	[spmem:s2] =	stream.indirect.scatter.add.f32 [tilespmem:s11], [sflag:$0x1], $0x1, s15, s12, $0xb8;
	[tilespmem:$0x3E78] =	vst v63  }
0x41: {  	s16 =	simm.s32 $0x800  }
0x42: {  	[spmem:s2] =	stream.indirect.scatter.add.f32 [tilespmem:s11], [sflag:$0x1], $0x1, s16, s12, $0xb8;
	[tilespmem:$0x3E78] =	vst v63  }
0x43: {  	s15 =	simm.s32 $0x880  }
0x44: {  	[spmem:s2] =	stream.indirect.scatter.add.f32 [tilespmem:s11], [sflag:$0x1], $0x1, s15, s12, $0xb8;
	[tilespmem:$0x3E78] =	vst v63  }
0x45: {  	s16 =	simm.s32 $0x900  }
0x46: {  	[spmem:s2] =	stream.indirect.scatter.add.f32 [tilespmem:s11], [sflag:$0x1], $0x1, s16, s12, $0xb8;
	[tilespmem:$0x3E78] =	vst v63  }
0x47: {  	s15 =	simm.s32 $0x980  }
0x48: {  	[spmem:s2] =	stream.indirect.scatter.add.f32 [tilespmem:s11], [sflag:$0x1], $0x1, s15, s12, $0xb8;
	[tilespmem:$0x3E78] =	vst v63  }
0x49: {  	s16 =	simm.s32 $0xA00  }
0x4a: {  	[spmem:s2] =	stream.indirect.scatter.add.f32 [tilespmem:s11], [sflag:$0x1], $0x1, s16, s12, $0xb8;
	[tilespmem:$0x3E78] =	vst v63  }
0x4b: {  	s15 =	simm.s32 $0xA80  }
0x4c: {  	[spmem:s2] =	stream.indirect.scatter.add.f32 [tilespmem:s11], [sflag:$0x1], $0x1, s15, s12, $0xb8;
	[tilespmem:$0x3E78] =	vst v63  }
0x4d: {  	s16 =	simm.s32 $0xB00  }
0x4e: {  	[spmem:s2] =	stream.indirect.scatter.add.f32 [tilespmem:s11], [sflag:$0x1], $0x1, s16, s12, $0xb8;
	[tilespmem:$0x3E78] =	vst v63  }
0x4f: {  	s15 =	simm.s32 $0xB80  }
0x50: {  	[spmem:s2] =	stream.indirect.scatter.add.f32 [tilespmem:s11], [sflag:$0x1], $0x1, s15, s12, $0xb8;
	[tilespmem:$0x3E78] =	vst v63  }
0x51: {  	s16 =	simm.s32 $0xC00  }
0x52: {  	[spmem:s2] =	stream.indirect.scatter.add.f32 [tilespmem:s11], [sflag:$0x1], $0x1, s16, s12, $0xb8;
	[tilespmem:$0x3E78] =	vst v63  }
0x53: {  	_ = 	snop  }
0x54: {  	[spmem:s2] =	stream.indirect.scatter.add.f32 [tilespmem:s11], [sflag:$0x1], $0x1, s17, s12, $0xb8;
	[tilespmem:$0x3E78] =	vst v63  }
0x55: {  	_ = 	snop  }
0x56: {  	[spmem:s2] =	stream.indirect.scatter.add.f32 [tilespmem:s11], [sflag:$0x1], $0x1, s18, s12, $0xb8;
	[tilespmem:$0x3E78] =	vst v63  }
0x57: {  	_ = 	snop  }
0x58: {  	[spmem:s2] =	stream.indirect.scatter.add.f32 [tilespmem:s11], [sflag:$0x1], $0x1, s19, s12, $0xb8;
	[tilespmem:$0x3E78] =	vst v63  }
0x59: {  	_ = 	snop  }
0x5a: {  	[spmem:s2] =	stream.indirect.scatter.add.f32 [tilespmem:s11], [sflag:$0x1], $0x1, s20, s12, $0xb8;
	[tilespmem:$0x3E78] =	vst v63  }
0x5b: {  	_ = 	snop  }
0x5c: {  	[spmem:s2] =	stream.indirect.scatter.add.f32 [tilespmem:s11], [sflag:$0x1], $0x1, s21, s12, $0xb8;
	[tilespmem:$0x3E78] =	vst v63  }
0x5d: {  	_ = 	snop  }
0x5e: {  	[spmem:s2] =	stream.indirect.scatter.add.f32 [tilespmem:s11], [sflag:$0x1], $0x1, s22, s12, $0xb8;
	[tilespmem:$0x3E78] =	vst v63  }
0x5f: {  	_ = 	snop  }
0x60: {  	[spmem:s2] =	stream.indirect.scatter.add.f32 [tilespmem:s11], [sflag:$0x1], $0x1, s23, s12, $0xb8;
	[tilespmem:$0x3E78] =	vst v63  }
0x61: {  	_ = 	snop  }
0x62: {  	[spmem:s2] =	stream.indirect.scatter.add.f32 [tilespmem:s11], [sflag:$0x1], $0x1, s24, s12, $0xb8;
	[tilespmem:$0x3E78] =	vst v63  }
0x63: {  	_ = 	snop  }
0x64: {  	[spmem:s2] =	stream.indirect.scatter.add.f32 [tilespmem:s11], [sflag:$0x1], $0x1, s25, s12, $0xb8;
	[tilespmem:$0x3E78] =	vst v63  }
0x65: {  	_ = 	snop  }
0x66: {  	[spmem:s2] =	stream.indirect.scatter.add.f32 [tilespmem:s11], [sflag:$0x1], $0x1, s26, s12, $0xb8;
	[tilespmem:$0x3E78] =	vst v63  }
0x67: {  	_ = 	snop  }
0x68: {  	[spmem:s2] =	stream.indirect.scatter.add.f32 [tilespmem:s11], [sflag:$0x1], $0x1, s28, s12, $0xb8;
	[tilespmem:$0x3E78] =	vst v63  }
0x69: {  	_ = 	snop  }
0x6a: {  	[spmem:s2] =	stream.indirect.scatter.add.f32 [tilespmem:s11], [sflag:$0x1], $0x1, s29, s12, $0xb8;
	[tilespmem:$0x3E78] =	vst v63  }
0x6b: {  	_ = 	snop  }
0x6c: {  	[spmem:s2] =	stream.indirect.scatter.add.f32 [tilespmem:s11], [sflag:$0x1], $0x1, s30, s12, $0xb8;
	[tilespmem:$0x3E78] =	vst v63  }
0x6d: {  	_ = 	snop  }
0x6e: {  	[spmem:s2] =	stream.indirect.scatter.add.f32 [tilespmem:s11], [sflag:$0x1], $0x1, s31, s12, $0xb8;
	[tilespmem:$0x3E78] =	vst v63  }
0x6f: {  	_ = 	snop  }
0x70: {  	[spmem:s2] =	stream.indirect.scatter.add.f32 [tilespmem:s11], [sflag:$0x1], $0x1, s0, s12, $0xb8;
	[tilespmem:$0x3E78] =	vst v63  }
0x71: {  	_ =	swait.ge [sflag:s1], $0x7D  }
0x72: {  	s14 =	simm.s32 $0x27;
	[sflag:s1] =	ssyncset.done $0x0  }
.LBB2_2:
0x73: {  	p3 =	sne.s32 s14, $0x1;
	s14 =	sadd.s32 $0xFFFFFFFF, s14;
	[sflag:s1] =	ssyncadd.s32 $0xFFFFFF83  }
.Ltmp0:
0x74: {  	(pc) =	sbr.rel @p3 .LBB2_2-.Ltmp0, $3  }
0x75: {  	_ =	sdelay $0x1  }
0x76: {  	_ =	swait.ge [sflag:s1], $0x7D  }
0x77: {  	[sflag:s1] =	ssyncset.done $0x0  }
0x78: {  	[sflag:s1] =	ssyncadd.s32 $0xFFFFFF83  }
0x79: {  	s14 =	simm.s32 @!p2 $0x1480;
	s15 =	simm.s32 @!p2 $0x2;
	[bflag:$0x0] =	sbarrier.arrive $0xFFFF  }
0x7a: {  	[tilespmem:s14], [sflag:$0x2] =	stream.linear.gather @!p2 [spmem:s2], $0x2780, $0x38;
	[tilespmem:$0x3E78] =	vst v63  }
0x7b: {  	_ =	swait.ge @!p2 [sflag:s15], $0x2780  }
0x7c: {  	[sflag:s15] =	ssyncset.done @!p2 $0x0  }
0x7d: {  	s16 =	simm.s32 @!p2 $0x0;
	[sflag:s15] =	ssyncadd.s32 @!p2 $0xFFFFD880  }
0x7e: {  	[hbm4b:s5+s16] =	stream.linear.scatter @!p2 [tilespmem:s14], [sflag:$0x2], $0x2780, $0x38;
	[tilespmem:$0x3E78] =	vst v63  }
0x7f: {  	_ =	swait.ge @!p2 [sflag:s15], $0x2780  }
0x80: {  	[sflag:s15] =	ssyncset.done @!p2 $0x0  }
0x81: {  	s14 =	simm.s32 @p1 $0x1480;
	[sflag:s15] =	ssyncadd.s32 @!p2 $0xFFFFD880;
	s15 =	simm.s32 @p1 $0x2  }
0x82: {  	[tilespmem:s14], [sflag:$0x2] =	stream.linear.gather @p1 [spmem:s2], $0x2780, $0x38;
	[tilespmem:$0x3E78] =	vst v63  }
0x83: {  	s13 =	sadd.s32 $0x1, s13;
	_ =	swait.ge @p1 [sflag:s15], $0x2780  }
0x84: {  	p3 =	sne.s32 s13, s8;
	[sflag:s15] =	ssyncset.done @p1 $0x0  }
.Ltmp1:
0x85: {  	s16 =	simm.s32 @p1 $0x0;
	[sflag:s15] =	ssyncadd.s32 @p1 $0xFFFFD880;
	(pc) =	sbr.rel @p3 .LBB2_1-.Ltmp1, $4  }
0x86: {  	[hbm4b:s6+s16] =	stream.linear.scatter @p1 [tilespmem:s14], [sflag:$0x2], $0x2780, $0x38;
	[tilespmem:$0x3E78] =	vst v63  }
0x87: {  	_ =	swait.ge @p1 [sflag:s15], $0x2780  }
0x88: {  	[sflag:s15] =	ssyncset.done @p1 $0x0  }
0x89: {  	[sflag:s15] =	ssyncadd.s32 @p1 $0xFFFFD880  }
0x8a: {  	_ =	sfence.sel $0x180000  }
0x8b: {  	[bflag:$0x0] =	sbarrier.arrive $0xFFFF  }
0x8c: {  	_ =	strace $0x90000047  }
0x8d: {  	[bflag:$0x2] =	sbarrier.arrive $0xFFFF  }
0x8e: {  	s0 =	rddreg [dreg:$0x3]  }
0x8f: {  	s0 =	sadd.s32 @!p0 $0x100000, s0  }
0x90: {  	[sflag:s0] =	ssyncadd.tile.s32 @!p0 $0x1;
	_ =	shalt  }
.Lfunc_end2:
_tile_overlayer_lowered:
.L_overlay_start_2:
0x91: {  	(tag) =	ssettag $0x2  }
0x92: {  	s0 =	rddreg [dreg:$0x0];
	s2 =	stileid.u32  }
0x93: {  	s1 =	rddreg [dreg:$0x1];
	p0 =	sne.s32 s2, $0x0  }
0x94: {  	s3 =	rddreg [dreg:$0x2];
	[bflag:$0x3] =	sbarrier.arrive $0xFFFF;
	s2 =	simm.s32 @!p0 $0x1C02  }
0x95: {  	[timem:s3], [sflag:s2] =	dma.local @!p0 [hbm:s0], s1  }
0x96: {  	s0 =	simm.s32 @!p0 $0x2  }
0x97: {  	_ =	swait.ge @!p0 [sflag:s0], s1  }
0x98: {  	s1 =	ssub.s32 @!p0 $0x0, s1;
	[sflag:s0] =	ssyncset.done @!p0 $0x0  }
0x99: {  	[sflag:s0] =	ssyncadd.s32 @!p0 s1  }
0x9a: {  	[bflag:$0x3] =	sbarrier.arrive $0xFFFF  }
0x9b: {  	_ =	shalt  }

// kernel: kernel.9.cloned.1.call-start
scs
__scs_entry_jumppad:
0x0: {  	(pc) =	sbr.rel $0x88, $3  }
0x1: {  	(tag) =	ssettag $0x0;
	lr =	simm.s32 $0x1  }
0x2: {  	[smem:$0x3F9A] =	sst lr;
	_ =	strace $0xD0000000  }
0x3: {  	_ = 	snop  }
0x4: {  	_ = 	snop  }
0x5: {  	_ = 	snop  }
0x6: {  	_ = 	snop  }
0x7: {  	_ = 	snop  }
__scs_overlays_trampoline_lowered:
0x8: {  	[smem:$0x3FA9] =	sst s0  }
0x9: {  	[smem:$0x3FAA] =	sst s1  }
0xa: {  	[smem:$0x3FAB] =	sst s2  }
0xb: {  	[smem:$0x3FAC] =	sst s3  }
0xc: {  	[smem:$0x3FAD] =	sst s4  }
0xd: {  	[smem:$0x3FAE] =	sst s5  }
0xe: {  	[smem:$0x3FAF] =	sst s6  }
0xf: {  	[smem:$0x3FB0] =	sst s7  }
0x10: {  	[smem:$0x3FB1] =	sst s8  }
0x11: {  	[smem:$0x3FB2] =	sst s9;
	s0 =	simm.s32 @!p0 $0x0  }
0x12: {  	s1 =	sld [smem:$0x3F98];
	s0 =	simm.s32 @p0 $0x1  }
0x13: {  	[smem:$0x3FB3] =	sst s0;
	s0 =	simm.s32 @!p1 $0x0  }
0x14: {  	s2 =	sld [smem:$0x3F97];
	s0 =	simm.s32 @p1 $0x1  }
0x15: {  	[smem:$0x3FB4] =	sst s0;
	s0 =	simm.s32 @!p2 $0x0  }
0x16: {  	s3 =	sld [smem:$0x3FDB];
	s0 =	simm.s32 @p2 $0x1  }
0x17: {  	s4 =	simm.s32 $0x1BF5;
	[smem:$0x3FB6] =	sst s0  }
0x18: {  	s0 =	sld [smem:$0x3F99];
	_ =	swait.ge [sflag:s4], $0x0  }
0x19: {  	s7 =	sld [smem:$0x3F9A]  }
0x1a: {  	s8 =	sadd.s32 $0xFFFFE003, lr  }
0x1b: {  	s9 =	sadd.s32 $0xFFFFFEF7, lr;
	s5 =	simm.s32 $0xFFFFFFFF;
	p2 =	slt.u32 s8, $0xFFFFF086  }
0x1c: {  	p1 =	slt.u32 s9, $0xF7A;
	s5 =	simm.s32 @!p2 $0x0  }
0x1d: {  	s5 =	simm.s32 @p1 $0x1;
	p0 =	seq.s32 s7, s2  }
0x1e: {  	s7 =	smul.u32 @!p0 $0xF7A, s2;
	p2 =	seq.s32 @!p0 s5, $0x0  }
0x1f: {  	s9 =	smul.u32 $0xF7A, s1;
	s8 =	simm.s32 @!p0 $0x1BF5;
	p2 =	por !p2, p0  }
0x20: {  	[sflag:s8] =	ssyncset.s32 @!p0 $0xFFFFF086;
	s6 =	sadd.s32 @!p0 s3, s7;
	s7 =	simm.s32 @!p0 $0x108  }
0x21: {  	s3 =	sadd.s32 s3, s9;
	s6 =	sadd.s32 @!p0 $0x88, s6;
	s7 =	simm.s32 @p2 $0x1082  }
0x22: {  	[simem:s7], [sflag:s8] =	dma.local @!p0 [hbm:s6], $0xF7A  }
0x23: {  	s9 =	sor.u32 $0xD0000000, s2;
	s6 =	simm.s32 $0x108;
	_ =	swait.ge @!p0 [sflag:s8], $0x0  }
0x24: {  	s3 =	sadd.s32 $0x88, s3;
	s6 =	simm.s32 @!p1 $0x1082;
	[sflag:s4] =	ssyncset.s32 $0xFFFFF086  }
0x25: {  	[simem:s6], [sflag:s4] =	dma.local [hbm:s3], $0xF7A  }
0x26: {  	[smem:$0x3F9A] =	sst s1;
	(tag) =	ssettag s2;
	_ =	strace s9  }
0x27: {  	s1 =	sld [smem:$0x3FAA]  }
0x28: {  	s2 =	sld [smem:$0x3FAB]  }
0x29: {  	s4 =	sld [smem:$0x3FAD]  }
0x2a: {  	p0 =	seq.s32 s5, $0x0;
	s5 =	sld [smem:$0x3FAE]  }
0x2b: {  	s6 =	sld [smem:$0x3FAF]  }
0x2c: {  	s7 =	sld [smem:$0x3FB0]  }
0x2d: {  	s3 =	simm.s32 $0x108;
	s8 =	sld [smem:$0x3FB1]  }
0x2e: {  	s3 =	simm.s32 @!p0 $0x1082;
	s9 =	sld [smem:$0x3FB2]  }
0x2f: {  	lr =	sadd.s32 s0, s3;
	s0 =	sld [smem:$0x3FA9]  }
0x30: {  	s3 =	sld [smem:$0x3FAC]  }
0x31: {  	[smem:$0x3FB5] =	sst s10  }
0x32: {  	s10 =	sld [smem:$0x3FB3];
	_ =	sdelay $0x3  }
0x33: {  	p0 =	seq.s32 s10, $0x1;
	s10 =	sld [smem:$0x3FB5];
	_ =	sdelay $0x3  }
0x34: {  	[smem:$0x3FB5] =	sst s10  }
0x35: {  	s10 =	sld [smem:$0x3FB4];
	_ =	sdelay $0x3  }
0x36: {  	p1 =	seq.s32 s10, $0x1;
	s10 =	sld [smem:$0x3FB5];
	_ =	sdelay $0x3  }
0x37: {  	[smem:$0x3FB5] =	sst s10  }
0x38: {  	s10 =	sld [smem:$0x3FB6]  }
0x39: {  	_ = 	snop;
	(pc) =	sbr.ind lr, $3  }
0x3a: {  	_ = 	snop  }
0x3b: {  	_ = 	snop  }
0x3c: {  	p2 =	seq.s32 s10, $0x1;
	s10 =	sld [smem:$0x3FB5]  }
0x3d: {  	_ =	shalt  }
0x3e: {  	_ =	shalt  }
0x3f: {  	_ =	shalt  }
0x40: {  	_ =	shalt  }
0x41: {  	_ =	shalt  }
0x42: {  	_ =	shalt  }
0x43: {  	_ =	shalt  }
0x44: {  	_ =	shalt  }
0x45: {  	_ =	shalt  }
0x46: {  	_ =	shalt  }
0x47: {  	_ =	shalt  }
0x48: {  	_ =	shalt  }
0x49: {  	_ =	shalt  }
0x4a: {  	_ =	shalt  }
0x4b: {  	_ =	shalt  }
0x4c: {  	_ =	shalt  }
0x4d: {  	_ =	shalt  }
0x4e: {  	_ =	shalt  }
0x4f: {  	_ =	shalt  }
0x50: {  	_ =	shalt  }
0x51: {  	_ =	shalt  }
0x52: {  	_ =	shalt  }
0x53: {  	_ =	shalt  }
0x54: {  	_ =	shalt  }
0x55: {  	_ =	shalt  }
0x56: {  	_ =	shalt  }
0x57: {  	_ =	shalt  }
0x58: {  	_ =	shalt  }
0x59: {  	_ =	shalt  }
0x5a: {  	_ =	shalt  }
0x5b: {  	_ =	shalt  }
0x5c: {  	_ =	shalt  }
0x5d: {  	_ =	shalt  }
0x5e: {  	_ =	shalt  }
0x5f: {  	_ =	shalt  }
0x60: {  	_ =	shalt  }
0x61: {  	_ =	shalt  }
0x62: {  	_ =	shalt  }
0x63: {  	_ =	shalt  }
0x64: {  	_ =	shalt  }
0x65: {  	_ =	shalt  }
0x66: {  	_ =	shalt  }
0x67: {  	_ =	shalt  }
0x68: {  	_ =	shalt  }
0x69: {  	_ =	shalt  }
0x6a: {  	_ =	shalt  }
0x6b: {  	_ =	shalt  }
0x6c: {  	_ =	shalt  }
0x6d: {  	_ =	shalt  }
0x6e: {  	_ =	shalt  }
0x6f: {  	_ =	shalt  }
0x70: {  	_ =	shalt  }
0x71: {  	_ =	shalt  }
0x72: {  	_ =	shalt  }
0x73: {  	_ =	shalt  }
0x74: {  	_ =	shalt  }
0x75: {  	_ =	shalt  }
0x76: {  	_ =	shalt  }
0x77: {  	_ =	shalt  }
0x78: {  	_ =	shalt  }
0x79: {  	_ =	shalt  }
0x7a: {  	_ =	shalt  }
0x7b: {  	_ =	shalt  }
0x7c: {  	_ =	shalt  }
0x7d: {  	_ =	shalt  }
0x7e: {  	_ =	shalt  }
0x7f: {  	_ =	shalt  }
0x80: {  	_ =	shalt  }
0x81: {  	_ =	shalt  }
0x82: {  	_ =	shalt  }
0x83: {  	_ =	shalt  }
0x84: {  	_ =	shalt  }
0x85: {  	_ =	shalt  }
0x86: {  	_ =	shalt  }
0x87: {  	_ =	shalt  }
.Lfunc_end0:
.L_simem_size_0:
called_computation.1_lowered:
.L_overlay_start_0:
0x88: {  	s2 =	sld [smem:$0x3FD9]  }
0x89: {  	s3 =	sld [smem:$0x3FFE];
	_ =	sdelay $0x1  }
0x8a: {  	s1 =	srdreg.scid  }
0x8b: {  	s0 =	sand.u32 $0x1, s1  }
0x8c: {  	s16 =	sshll.u32 s0, $0xA;
	s2 =	sadd.s32 s3, s2  }
0x8d: {  	s2 =	sadd.s32 s2, s16  }
0x8e: {  	[smem:$0x3FC1] =	sst s2  }
0x8f: {  	_ = 	snop  }
0x90: {  	(tm) =	ssettm $0x1  }
0x91: {  	s17 =	sld [smem:$0x3FFB];
	_ =	sdelay $0x3  }
0x92: {  	_ =	strace s17  }
0x93: {  	s2 =	sld [smem:$0x3FFC];
	_ =	sdelay $0x3  }
0x94: {  	_ =	strace s2  }
0x95: {  	s2 =	sld [smem:$0x3FFD];
	_ =	sdelay $0x3  }
0x96: {  	_ =	strace s2  }
0x97: {  	_ =	strace $0x8FFFFFFF  }
0x98: {  	s18 =	sld [smem:$0x3FDB];
	_ =	sdelay $0x1  }
0x99: {  	s19 =	simm.s32 $_scs_section_size  }
0x9a: {  	s4 =	simm.s32 $_size__tile_overlayer_lowered;
	s5 =	simm.s32 $_tile_overlayer_lowered  }
0x9b: {  	s22 =	simm.s32 $0x1BFF;
	s21 =	sshll.u32 s5, $0x1;
	s2 =	sadd.s32 s19, s18  }
0x9c: {  	s6 =	simm.s32 $0x0;
	s20 =	sshll.u32 s4, $0x1;
	s4 =	sadd.s32 s21, s2  }
0x9d: {  	[timem:s6], [sflag:s22] =	dma.local [hbm:s4], s20  }
0x9e: {  	_ =	swait.ge [sflag:s22], s20  }
0x9f: {  	s3 =	ssub.s32 $0x0, s20;
	[sflag:s22] =	ssyncset.done $0x0  }
0xa0: {  	[sflag:s22] =	ssyncadd.s32 s3;
	_ =	sdelay $0x1  }
0xa1: {  	s23 =	simm.s32 $0x1B8B  }
0xa2: {  	_ =	swait.ge [sflag:s23], $0x1  }
0xa3: {  	[sflag:s23] =	ssyncset.done $0x0  }
0xa4: {  	s25 =	simm.s32 $0x1B8E;
	s24 =	sld [smem:$0x3FFE];
	[sflag:s23] =	ssyncadd.s32 $0xFFFFFFFF  }
0xa5: {  	s26 =	simm.s32 $execute0_lowered;
	[smem:$0x3FD2] =	sst s25  }
0xa6: {  	s4 =	sshll.u32 s26, $0x1;
	_ =	strace $0x80000049;
	[dreg:$0x1] =	wrdreg $0xFFFFFFFF  }
0xa7: {  	s28 =	simm.s32 $_size_execute0_lowered;
	s2 =	sadd.s32 s2, s4;
	[dreg:$0x0] =	wrdreg $0x0  }
0xa8: {  	s4 =	sshll.u32 s28, $0x1;
	[dreg:$0x2] =	wrdreg s2  }
0xa9: {  	[dreg:$0x3] =	wrdreg s4  }
0xaa: {  	[dreg:$0x4] =	wrdreg $0xC0  }
0xab: {  	_ =	task [dreg:s6], $0x5FFFF  }
0xac: {  	[dreg:$0x1] =	wrdreg $0xFFFFFFFF  }
0xad: {  	[dreg:$0x0] =	wrdreg $0x60  }
0xae: {  	[dreg:$0x2] =	wrdreg s24  }
0xaf: {  	[dreg:$0x3] =	wrdreg $0xFF000  }
0xb0: {  	[dreg:$0x4] =	wrdreg $0x9  }
0xb1: {  	_ =	task.clear_ibuf [dreg:s6], $0x5FFFF;
	_ =	strace $0x90000049  }
0xb2: {  	s29 =	simm.s32 $0x9;
	_ =	strace $0x8000004B  }
0xb3: {  	_ =	swait.ge [sflag:s29], $0x1  }
0xb4: {  	[sflag:s29] =	ssyncadd.s32 $0xFFFFFFFF  }
0xb5: {  	_ =	strace $0x9000004B  }
0xb6: {  	_ =	sfence  }
0xb7: {  	s30 =	sld [smem:$0x0];
	_ =	sdelay $0x2  }
0xb8: {  	s31 =	sshll.u32 s1, $0xD;
	s1 =	sshrl.u32 s1, $0x2  }
0xb9: {  	s3 =	sand.u32 $0x4000, s31;
	s1 =	sadd.s32 s1, s30  }
0xba: {  	s0 =	sor.u32 s3, s0;
	s1 =	sshll.u32 s1, $0x11  }
0xbb: {  	s0 =	sor.u32 s1, s0  }
0xbc: {  	s0 =	sadd.s32 $0x8F2B, s0  }
0xbd: {  	[sflag:s0] =	ssyncadd.remote.s32 $0x1  }
0xbe: {  	_ =	sfence.sel $0xFFFF  }
0xbf: {  	[dreg:$0x0] =	wrdreg $0xFFFFFFFF;
	(pc) =	sbr.abs _section_cstart, $3  }
0xc0: {  	[dreg:$0x1] =	wrdreg $0xFFFFFFFF  }
0xc1: {  	_ =	task.clear_ibuf [dreg:s6], $0x2FFFF;
	_ =	strace $0x9FFFFFFF  }
0xc2: {  	(tm) =	ssettm $0x7FFFFFFF  }
0xc3: {  	_ =	shalt  }
tec
execute0_lowered:
.L_overlay_start_1:
0x0: {  	(tag) =	ssettag $0x1  }
0x1: {  	s0 =	rddreg [dreg:$0x0]  }
0x2: {  	s2 =	rddreg [dreg:$0x1];
	s3 =	simm.s32 $0x0  }
0x3: {  	s11 =	stileid.u32;
	s6 =	srdreg.scid;
	s28 =	simm.s32 $0x9  }
0x4: {  	s29 =	simm.s32 $0x7D;
	s30 =	simm.s32 $0x5000;
	s15 =	simm.s32 $0x8E80  }
0x5: {  	s16 =	simm.s32 $0x2;
	s17 =	simm.s32 $0x6;
	s18 =	simm.s32 $0x8  }
0x6: {  	s31 =	simm.s32 $0xCD00;
	[smem:$0x7FF] =	sst s3;
	s1 =	smul.u32 $0x500, s11  }
0x7: {  	s4 =	sadd.s32 $0x25A00, s0;
	s5 =	sadd.s32 $0x12000, s0;
	s10 =	smul.u32 $0x3E800, s11  }
0x8: {  	s7 =	sand.u32 $0x1, s6;
	s6 =	sadd.s32 $0x11800, s0;
	s22 =	smul.u32 $0x3E8, s11  }
0x9: {  	s9 =	sadd.s32 $0x39400, s0;
	s14 =	smul.u32 $0x1F40, s11;
	p1 =	sgt.u32 s11, $0x9  }
0xa: {  	p2 =	slt.u32 s11, $0xA;
	s11 =	simm.s32 $0x2800;
	_ =	strace $0x8000004A  }
0xb: {  	s8 =	ssub.s32 $0x2, s7;
	[dreg:$0x3] =	wrdreg s9;
	p0 =	seq.s32 s7, $0x1  }
0xc: {  	s1 =	sadd.s32 s1, s0;
	s19 =	sshrl.u32 s8, $0x1;
	s0 =	sadd.s32 $0x4CE00, s0  }
0xd: {  	s23 =	sshrl.u32 s10, $0x2;
	s24 =	sadd.s32 $0xC8, s22;
	[dreg:$0xa] =	wrdreg s14  }
0xe: {  	s13 =	sadd.s32 $0x190, s22;
	s26 =	sadd.s32 $0x258, s22;
	[dreg:$0x4] =	wrdreg s0  }
0xf: {  	s14 =	simm.s32 $0x7;
	s20 =	ssub.s32 s8, s19;
	[dreg:$0x8] =	wrdreg s24  }
0x10: {  	s21 =	sadd.s32 $0xC800, s1;
	s1 =	sadd.s32 $0x7800, s1;
	[dreg:$0x9] =	wrdreg s13  }
0x11: {  	s12 =	sadd.s32 s23, s2;
	s10 =	sshll.u32 s24, $0x3;
	[dreg:$0xd] =	wrdreg s26  }
0x12: {  	s25 =	sshll.u32 s13, $0x3;
	s13 =	simm.s32 $0x4;
	[dreg:$0x5] =	wrdreg s21  }
0x13: {  	s19 =	simm.s32 $0xA;
	[dreg:$0x6] =	wrdreg s1;
	s0 =	smax.u32 s20, $0x1  }
0x14: {  	s7 =	sadd.s32 $0x6400, s12;
	s8 =	sadd.s32 $0x9600, s12;
	[dreg:$0xb] =	wrdreg s10  }
0x15: {  	s9 =	sadd.s32 $0xC800, s12;
	[dreg:$0xc] =	wrdreg s25;
	s1 =	sadd.s32 $0x320, s22  }
0x16: {  	s10 =	sshll.u32 s26, $0x3;
	s20 =	simm.s32 $0xADC0;
	[dreg:$0x7] =	wrdreg s0  }
.Ltmp0:
0x17: {  	s21 =	simm.s32 $0x3;
	[dreg:$0xf] =	wrdreg s10;
	(pc) =	sbr.rel .LBB2_1-.Ltmp0, $4  }
0x18: {  	s0 =	sadd.s32 $0x3200, s12;
	[dreg:$0xe] =	wrdreg s1;
	s1 =	sshll.u32 s1, $0x3  }
0x19: {  	s23 =	sshrl.u32 @!p1 s7, $0x3;
	s24 =	sshrl.u32 @!p1 s8, $0x3;
	s25 =	sshrl.u32 @!p1 s9, $0x3  }
0x1a: {  	s7 =	simm.s32 $0x1;
	s8 =	simm.s32 $0x5;
	[dreg:$0x10] =	wrdreg s1  }
0x1b: {  	s22 =	sshrl.u32 @!p1 s0, $0x3;
	s0 =	simm.s32 $0x6F40;
	s1 =	simm.s32 $0x0  }
.LBB2_10:
0x1c: {  	[tilespmem:s31], [sflag:$0xA] =	stream.linear.gather [spmem:s12], $0x3200, $0x38;
	[tilespmem:$0x19B40] =	vst v63  }
0x1d: {  	_ =	swait.ge [sflag:s19], $0x3200  }
0x1e: {  	[sflag:s19] =	ssyncset.done $0x0;
	s10 =	rddreg [dreg:$0xa]  }
0x1f: {  	s10 =	sadd.s32 s9, s10;
	[sflag:s19] =	ssyncadd.s32 $0xFFFFCE00  }
0x20: {  	[hbm4b:s10+s3] =	stream.linear.scatter [tilespmem:s31], [sflag:$0xA], $0x3200, $0x38;
	[tilespmem:$0x19B40] =	vst v63  }
0x21: {  	_ =	swait.ge [sflag:s19], $0x3200  }
0x22: {  	s26 =	rddreg [dreg:$0x8]  }
0x23: {  	[sflag:s19] =	ssyncset.done $0x0;
	s10 =	sshll.u32 s26, $0x6  }
0x24: {  	[sflag:s19] =	ssyncadd.s32 $0xFFFFCE00;
	s10 =	sadd.s32 s10, s2  }
0x25: {  	[tilespmem:s31], [sflag:$0xA] =	stream.linear.gather [spmem:s10], $0x3200, $0x38;
	[tilespmem:$0x19B40] =	vst v63  }
0x26: {  	_ =	swait.ge [sflag:s19], $0x3200  }
0x27: {  	[sflag:s19] =	ssyncset.done $0x0;
	s11 =	rddreg [dreg:$0xb]  }
0x28: {  	s10 =	sadd.s32 s9, s11;
	[sflag:s19] =	ssyncadd.s32 $0xFFFFCE00  }
0x29: {  	[hbm4b:s10+s3] =	stream.linear.scatter [tilespmem:s31], [sflag:$0xA], $0x3200, $0x38;
	[tilespmem:$0x19B40] =	vst v63  }
0x2a: {  	_ =	swait.ge [sflag:s19], $0x3200  }
0x2b: {  	s26 =	rddreg [dreg:$0x9]  }
0x2c: {  	[sflag:s19] =	ssyncset.done $0x0;
	s10 =	sshll.u32 s26, $0x6  }
0x2d: {  	[sflag:s19] =	ssyncadd.s32 $0xFFFFCE00;
	s10 =	sadd.s32 s10, s2  }
0x2e: {  	[tilespmem:s31], [sflag:$0xA] =	stream.linear.gather [spmem:s10], $0x3200, $0x38;
	[tilespmem:$0x19B40] =	vst v63  }
0x2f: {  	_ =	swait.ge [sflag:s19], $0x3200  }
0x30: {  	[sflag:s19] =	ssyncset.done $0x0;
	s11 =	rddreg [dreg:$0xc]  }
0x31: {  	s10 =	sadd.s32 s9, s11;
	[sflag:s19] =	ssyncadd.s32 $0xFFFFCE00  }
0x32: {  	[hbm4b:s10+s3] =	stream.linear.scatter [tilespmem:s31], [sflag:$0xA], $0x3200, $0x38;
	[tilespmem:$0x19B40] =	vst v63  }
0x33: {  	_ =	swait.ge [sflag:s19], $0x3200  }
0x34: {  	s26 =	rddreg [dreg:$0xd]  }
0x35: {  	[sflag:s19] =	ssyncset.done $0x0;
	s10 =	sshll.u32 s26, $0x6  }
0x36: {  	[sflag:s19] =	ssyncadd.s32 $0xFFFFCE00;
	s10 =	sadd.s32 s10, s2  }
0x37: {  	[tilespmem:s31], [sflag:$0xA] =	stream.linear.gather [spmem:s10], $0x3200, $0x38;
	[tilespmem:$0x19B40] =	vst v63  }
0x38: {  	_ =	swait.ge [sflag:s19], $0x3200  }
0x39: {  	[sflag:s19] =	ssyncset.done $0x0;
	s11 =	rddreg [dreg:$0xf]  }
0x3a: {  	s10 =	sadd.s32 s9, s11;
	[sflag:s19] =	ssyncadd.s32 $0xFFFFCE00  }
0x3b: {  	[hbm4b:s10+s3] =	stream.linear.scatter [tilespmem:s31], [sflag:$0xA], $0x3200, $0x38;
	[tilespmem:$0x19B40] =	vst v63  }
0x3c: {  	_ =	swait.ge [sflag:s19], $0x3200  }
0x3d: {  	s26 =	rddreg [dreg:$0xe]  }
0x3e: {  	[sflag:s19] =	ssyncset.done $0x0;
	s10 =	sshll.u32 s26, $0x6  }
0x3f: {  	[sflag:s19] =	ssyncadd.s32 $0xFFFFCE00;
	s10 =	sadd.s32 s10, s2  }
0x40: {  	[tilespmem:s31], [sflag:$0xA] =	stream.linear.gather [spmem:s10], $0x3200, $0x38;
	[tilespmem:$0x19B40] =	vst v63  }
0x41: {  	_ =	swait.ge [sflag:s19], $0x3200  }
0x42: {  	[sflag:s19] =	ssyncset.done $0x0;
	s11 =	rddreg [dreg:$0x10]  }
0x43: {  	s26 =	sadd.s32 s9, s11;
	[sflag:s19] =	ssyncadd.s32 $0xFFFFCE00  }
0x44: {  	[hbm4b:s26+s3] =	stream.linear.scatter [tilespmem:s31], [sflag:$0xA], $0x3200, $0x38;
	[tilespmem:$0x19B40] =	vst v63  }
0x45: {  	_ =	swait.ge [sflag:s19], $0x3200  }
0x46: {  	[sflag:s19] =	ssyncset.done $0x0  }
0x47: {  	[sflag:s19] =	ssyncadd.s32 $0xFFFFCE00  }
.LBB2_11:
0x48: {  	s1 =	sadd.s32 $0x1, s1;
	s9 =	rddreg [dreg:$0x7]  }
0x49: {  	p3 =	sne.s32 s1, s9  }
.Ltmp1:
0x4a: {  	_ = 	snop;
	(pc) =	sbr.rel @!p3 .LBB2_12-.Ltmp1, $2  }
0x4b: {  	_ =	sdelay $0x2  }
0x4c: {  	s11 =	simm.s32 $0x2800  }
.LBB2_1:
0x4d: {  	s9 =	rddreg [dreg:$0x5]  }
0x4e: {  	[tilespmem:s3], [sflag:$0x9] =	stream.linear.gather [hbm4b:s9+s3], $0x2800, $0x38;
	[tilespmem:$0x19B40] =	vst v63  }
0x4f: {  	s9 =	stileid.u32  }
0x50: {  	s26 =	rddreg [dreg:$0x6];
	s9 =	sshll.u32 @!p1 s9, $0x6  }
0x51: {  	[tilespmem:s11], [sflag:$0x9] =	stream.linear.gather [hbm4b:s26+s3], $0x2800, $0x38;
	[tilespmem:$0x19B40] =	vst v63  }
0x52: {  	s10 =	sshrl.u32 @!p1 s12, $0x3;
	s9 =	sor.u32 @!p1 $0x1C0A, s9  }
0x53: {  	[spmem:s10], [sflag:s9] =	dma.local @!p1 [hbm:s6], $0x640  }
0x54: {  	s10 =	simm.s32 @!p1 $0xA  }
0x55: {  	_ =	swait.ge @!p1 [sflag:s10], $0x640  }
0x56: {  	[sflag:s10] =	ssyncset.done @!p1 $0x0  }
0x57: {  	[sflag:s10] =	ssyncadd.s32 @!p1 $0xFFFFF9C0  }
0x58: {  	[spmem:s22], [sflag:s9] =	dma.local @!p1 [hbm:s6], $0x640  }
0x59: {  	_ =	swait.ge @!p1 [sflag:s10], $0x640  }
0x5a: {  	[sflag:s10] =	ssyncset.done @!p1 $0x0  }
0x5b: {  	[sflag:s10] =	ssyncadd.s32 @!p1 $0xFFFFF9C0  }
0x5c: {  	[spmem:s23], [sflag:s9] =	dma.local @!p1 [hbm:s6], $0x640  }
0x5d: {  	_ =	swait.ge @!p1 [sflag:s10], $0x640  }
0x5e: {  	[sflag:s10] =	ssyncset.done @!p1 $0x0  }
0x5f: {  	[sflag:s10] =	ssyncadd.s32 @!p1 $0xFFFFF9C0  }
0x60: {  	[spmem:s24], [sflag:s9] =	dma.local @!p1 [hbm:s6], $0x640  }
0x61: {  	_ =	swait.ge @!p1 [sflag:s10], $0x640  }
0x62: {  	[sflag:s10] =	ssyncset.done @!p1 $0x0  }
0x63: {  	[sflag:s10] =	ssyncadd.s32 @!p1 $0xFFFFF9C0  }
0x64: {  	[spmem:s25], [sflag:s9] =	dma.local @!p1 [hbm:s6], $0x640  }
0x65: {  	_ =	swait.ge @!p1 [sflag:s10], $0x640  }
0x66: {  	[sflag:s10] =	ssyncset.done @!p1 $0x0  }
0x67: {  	[sflag:s10] =	ssyncadd.s32 @!p1 $0xFFFFF9C0  }
0x68: {  	_ =	swait.ge [sflag:s28], $0x2800  }
0x69: {  	[sflag:s28] =	ssyncset.done $0x0  }
0x6a: {  	[sflag:s28] =	ssyncadd.s32 $0xFFFFD800  }
.Ltmp2:
0x6b: {  	_ =	swait.ge [sflag:s28], $0x2800;
	(pc) =	sbr.rel @!p0 .LBB2_2-.Ltmp2, $4  }
0x6c: {  	[sflag:s28] =	ssyncset.done $0x0  }
0x6d: {  	[sflag:s28] =	ssyncadd.s32 $0xFFFFD800  }
0x6e: {  	[bflag:$0x0] =	sbarrier.arrive $0xFFFF  }
0x6f: {  	s9 =	simm.s32 $0x0  }
0x70: {  	[tilespmem:s30], [sflag:$0x1] =	stream.indirect.gather [hbm4b:s5+s29], $0x40, s9, s29, $0xb8;
	[tilespmem:$0x19B40] =	vst v63  }
0x71: {  	s10 =	simm.s32 $0x80  }
0x72: {  	[tilespmem:s0], [sflag:$0x2] =	stream.indirect.gather [hbm4b:s5+s29], $0x40, s10, s29, $0xb8;
	[tilespmem:$0x19B40] =	vst v63  }
0x73: {  	_ =	swait.ge [sflag:s7], $0x1F40  }
0x74: {  	[sflag:s7] =	ssyncset.done $0x0  }
0x75: {  	s26 =	simm.s32 $0x100;
	[sflag:s7] =	ssyncadd.s32 $0xFFFFE0C0  }
0x76: {  	[tilespmem:s15], [sflag:$0x3] =	stream.indirect.gather [hbm4b:s5+s29], $0x40, s26, s29, $0xb8;
	[tilespmem:$0x19B40] =	vst v63  }
0x77: {  	_ = 	snop  }
0x78: {  	[spmem:s2] =	stream.indirect.scatter.add.bf16 [tilespmem:s30], [sflag:$0x5], $0x40, s11, s29, $0xb8;
	[tilespmem:$0x19B40] =	vst v63  }
0x79: {  	_ =	swait.ge [sflag:s16], $0x1F40  }
0x7a: {  	[sflag:s16] =	ssyncset.done $0x0  }
0x7b: {  	s11 =	simm.s32 $0x180;
	[sflag:s16] =	ssyncadd.s32 $0xFFFFE0C0  }
0x7c: {  	[tilespmem:s20], [sflag:$0x4] =	stream.indirect.gather [hbm4b:s5+s29], $0x40, s11, s29, $0xb8;
	[tilespmem:$0x19B40] =	vst v63  }
0x7d: {  	s26 =	simm.s32 $0x2880  }
0x7e: {  	[spmem:s2] =	stream.indirect.scatter.add.bf16 [tilespmem:s0], [sflag:$0x6], $0x40, s26, s29, $0xb8;
	[tilespmem:$0x19B40] =	vst v63  }
0x7f: {  	_ =	swait.ge [sflag:s21], $0x1F40  }
0x80: {  	[sflag:s21] =	ssyncset.done $0x0  }
0x81: {  	[sflag:s21] =	ssyncadd.s32 $0xFFFFE0C0  }
0x82: {  	_ =	swait.ge [sflag:s8], $0x1F40  }
0x83: {  	[sflag:s8] =	ssyncset.done $0x0  }
0x84: {  	s11 =	simm.s32 $0x200;
	[sflag:s8] =	ssyncadd.s32 $0xFFFFE0C0  }
0x85: {  	[tilespmem:s30], [sflag:$0x1] =	stream.indirect.gather [hbm4b:s5+s29], $0x40, s11, s29, $0xb8;
	[tilespmem:$0x19B40] =	vst v63  }
0x86: {  	s26 =	simm.s32 $0x2900  }
0x87: {  	[spmem:s2] =	stream.indirect.scatter.add.bf16 [tilespmem:s15], [sflag:$0x7], $0x40, s26, s29, $0xb8;
	[tilespmem:$0x19B40] =	vst v63  }
0x88: {  	_ =	swait.ge [sflag:s13], $0x1F40  }
0x89: {  	[sflag:s13] =	ssyncset.done $0x0  }
0x8a: {  	[sflag:s13] =	ssyncadd.s32 $0xFFFFE0C0  }
0x8b: {  	_ =	swait.ge [sflag:s17], $0x1F40  }
0x8c: {  	[sflag:s17] =	ssyncset.done $0x0  }
0x8d: {  	s11 =	simm.s32 $0x280;
	[sflag:s17] =	ssyncadd.s32 $0xFFFFE0C0  }
0x8e: {  	[tilespmem:s0], [sflag:$0x2] =	stream.indirect.gather [hbm4b:s5+s29], $0x40, s11, s29, $0xb8;
	[tilespmem:$0x19B40] =	vst v63  }
0x8f: {  	s26 =	simm.s32 $0x2980  }
0x90: {  	[spmem:s2] =	stream.indirect.scatter.add.bf16 [tilespmem:s20], [sflag:$0x8], $0x40, s26, s29, $0xb8;
	[tilespmem:$0x19B40] =	vst v63  }
.LBB2_7:
0x91: {  	_ =	swait.ge [sflag:s7], $0x1F40  }
0x92: {  	[sflag:s7] =	ssyncset.done $0x0  }
0x93: {  	[sflag:s7] =	ssyncadd.s32 $0xFFFFE0C0  }
0x94: {  	_ =	swait.ge [sflag:s14], $0x1F40  }
0x95: {  	s10 =	sshra.s32 s9, $0x2;
	[sflag:s14] =	ssyncset.done $0x0  }
0x96: {  	s11 =	sadd.s32 $0x300, s10;
	[sflag:s14] =	ssyncadd.s32 $0xFFFFE0C0  }
0x97: {  	[tilespmem:s15], [sflag:$0x3] =	stream.indirect.gather [hbm4b:s5+s29], $0x40, s11, s29, $0xb8;
	[tilespmem:$0x19B40] =	vst v63  }
0x98: {  	s26 =	sadd.s32 $0x2A00, s10  }
0x99: {  	[spmem:s2] =	stream.indirect.scatter.add.bf16 [tilespmem:s30], [sflag:$0x5], $0x40, s26, s29, $0xb8;
	[tilespmem:$0x19B40] =	vst v63  }
0x9a: {  	_ =	swait.ge [sflag:s16], $0x1F40  }
0x9b: {  	[sflag:s16] =	ssyncset.done $0x0  }
0x9c: {  	[sflag:s16] =	ssyncadd.s32 $0xFFFFE0C0  }
0x9d: {  	_ =	swait.ge [sflag:s18], $0x1F40  }
0x9e: {  	[sflag:s18] =	ssyncset.done $0x0  }
0x9f: {  	s26 =	sadd.s32 $0x380, s10;
	[sflag:s18] =	ssyncadd.s32 $0xFFFFE0C0  }
0xa0: {  	[tilespmem:s20], [sflag:$0x4] =	stream.indirect.gather [hbm4b:s5+s29], $0x40, s26, s29, $0xb8;
	[tilespmem:$0x19B40] =	vst v63  }
0xa1: {  	s26 =	sadd.s32 $0x2A80, s10  }
0xa2: {  	[spmem:s2] =	stream.indirect.scatter.add.bf16 [tilespmem:s0], [sflag:$0x6], $0x40, s26, s29, $0xb8;
	[tilespmem:$0x19B40] =	vst v63  }
0xa3: {  	p3 =	seq.s32 s9, $0x9000;
	_ =	swait.ge [sflag:s21], $0x1F40  }
.Ltmp3:
0xa4: {  	[sflag:s21] =	ssyncset.done $0x0;
	(pc) =	sbr.rel @p3 .LBB2_9-.Ltmp3, $4  }
0xa5: {  	[sflag:s21] =	ssyncadd.s32 $0xFFFFE0C0  }
0xa6: {  	_ =	swait.ge [sflag:s8], $0x1F40  }
0xa7: {  	[sflag:s8] =	ssyncset.done $0x0  }
0xa8: {  	s11 =	sadd.s32 $0x2B00, s10;
	[sflag:s8] =	ssyncadd.s32 $0xFFFFE0C0  }
0xa9: {  	s26 =	sadd.s32 $0x400, s10  }
0xaa: {  	[tilespmem:s30], [sflag:$0x1] =	stream.indirect.gather [hbm4b:s5+s29], $0x40, s26, s29, $0xb8;
	[tilespmem:$0x19B40] =	vst v63  }
0xab: {  	_ = 	snop  }
0xac: {  	[spmem:s2] =	stream.indirect.scatter.add.bf16 [tilespmem:s15], [sflag:$0x7], $0x40, s11, s29, $0xb8;
	[tilespmem:$0x19B40] =	vst v63  }
0xad: {  	_ =	swait.ge [sflag:s13], $0x1F40  }
0xae: {  	[sflag:s13] =	ssyncset.done $0x0  }
0xaf: {  	[sflag:s13] =	ssyncadd.s32 $0xFFFFE0C0  }
0xb0: {  	_ =	swait.ge [sflag:s17], $0x1F40  }
.Ltmp4:
0xb1: {  	[sflag:s17] =	ssyncset.done $0x0;
	(pc) =	sbr.rel .LBB2_7-.Ltmp4, $4  }
0xb2: {  	s26 =	sadd.s32 $0x480, s10;
	[sflag:s17] =	ssyncadd.s32 $0xFFFFE0C0  }
0xb3: {  	[tilespmem:s0], [sflag:$0x2] =	stream.indirect.gather [hbm4b:s5+s29], $0x40, s26, s29, $0xb8;
	[tilespmem:$0x19B40] =	vst v63  }
0xb4: {  	s9 =	sadd.s32 $0x800, s9;
	s26 =	sadd.s32 $0x2B80, s10  }
0xb5: {  	[spmem:s2] =	stream.indirect.scatter.add.bf16 [tilespmem:s20], [sflag:$0x8], $0x40, s26, s29, $0xb8;
	[tilespmem:$0x19B40] =	vst v63  }
.LBB2_2:
0xb6: {  	[tilespmem:s30], [sflag:$0x1] =	stream.indirect.gather [hbm4b:s4+s29], $0x40, s9, s29, $0xb8;
	[tilespmem:$0x19B40] =	vst v63  }
0xb7: {  	s10 =	simm.s32 $0x80  }
0xb8: {  	[tilespmem:s0], [sflag:$0x2] =	stream.indirect.gather [hbm4b:s4+s29], $0x40, s10, s29, $0xb8;
	[tilespmem:$0x19B40] =	vst v63  }
0xb9: {  	_ =	swait.ge [sflag:s7], $0x1F40  }
0xba: {  	[sflag:s7] =	ssyncset.done $0x0  }
0xbb: {  	s26 =	simm.s32 $0x100;
	[sflag:s7] =	ssyncadd.s32 $0xFFFFE0C0  }
0xbc: {  	[tilespmem:s15], [sflag:$0x3] =	stream.indirect.gather [hbm4b:s4+s29], $0x40, s26, s29, $0xb8;
	[tilespmem:$0x19B40] =	vst v63  }
0xbd: {  	_ = 	snop  }
0xbe: {  	[spmem:s2] =	stream.indirect.scatter.add.bf16 [tilespmem:s30], [sflag:$0x5], $0x40, s11, s29, $0xb8;
	[tilespmem:$0x19B40] =	vst v63  }
0xbf: {  	_ =	swait.ge [sflag:s16], $0x1F40  }
0xc0: {  	[sflag:s16] =	ssyncset.done $0x0  }
0xc1: {  	s11 =	simm.s32 $0x180;
	[sflag:s16] =	ssyncadd.s32 $0xFFFFE0C0  }
0xc2: {  	[tilespmem:s20], [sflag:$0x4] =	stream.indirect.gather [hbm4b:s4+s29], $0x40, s11, s29, $0xb8;
	[tilespmem:$0x19B40] =	vst v63  }
0xc3: {  	s26 =	simm.s32 $0x2880  }
0xc4: {  	[spmem:s2] =	stream.indirect.scatter.add.bf16 [tilespmem:s0], [sflag:$0x6], $0x40, s26, s29, $0xb8;
	[tilespmem:$0x19B40] =	vst v63  }
0xc5: {  	_ =	swait.ge [sflag:s21], $0x1F40  }
0xc6: {  	[sflag:s21] =	ssyncset.done $0x0  }
0xc7: {  	[sflag:s21] =	ssyncadd.s32 $0xFFFFE0C0  }
0xc8: {  	_ =	swait.ge [sflag:s8], $0x1F40  }
0xc9: {  	[sflag:s8] =	ssyncset.done $0x0  }
0xca: {  	s11 =	simm.s32 $0x200;
	[sflag:s8] =	ssyncadd.s32 $0xFFFFE0C0  }
0xcb: {  	[tilespmem:s30], [sflag:$0x1] =	stream.indirect.gather [hbm4b:s4+s29], $0x40, s11, s29, $0xb8;
	[tilespmem:$0x19B40] =	vst v63  }
0xcc: {  	s26 =	simm.s32 $0x2900  }
0xcd: {  	[spmem:s2] =	stream.indirect.scatter.add.bf16 [tilespmem:s15], [sflag:$0x7], $0x40, s26, s29, $0xb8;
	[tilespmem:$0x19B40] =	vst v63  }
0xce: {  	_ =	swait.ge [sflag:s13], $0x1F40  }
0xcf: {  	[sflag:s13] =	ssyncset.done $0x0  }
0xd0: {  	[sflag:s13] =	ssyncadd.s32 $0xFFFFE0C0  }
0xd1: {  	_ =	swait.ge [sflag:s17], $0x1F40  }
0xd2: {  	[sflag:s17] =	ssyncset.done $0x0  }
0xd3: {  	s11 =	simm.s32 $0x280;
	[sflag:s17] =	ssyncadd.s32 $0xFFFFE0C0  }
0xd4: {  	[tilespmem:s0], [sflag:$0x2] =	stream.indirect.gather [hbm4b:s4+s29], $0x40, s11, s29, $0xb8;
	[tilespmem:$0x19B40] =	vst v63  }
0xd5: {  	s26 =	simm.s32 $0x2980  }
0xd6: {  	[spmem:s2] =	stream.indirect.scatter.add.bf16 [tilespmem:s20], [sflag:$0x8], $0x40, s26, s29, $0xb8;
	[tilespmem:$0x19B40] =	vst v63  }
.LBB2_3:
0xd7: {  	_ =	swait.ge [sflag:s7], $0x1F40  }
0xd8: {  	[sflag:s7] =	ssyncset.done $0x0  }
0xd9: {  	[sflag:s7] =	ssyncadd.s32 $0xFFFFE0C0  }
0xda: {  	_ =	swait.ge [sflag:s14], $0x1F40  }
0xdb: {  	s10 =	sshra.s32 s9, $0x2;
	[sflag:s14] =	ssyncset.done $0x0  }
0xdc: {  	s11 =	sadd.s32 $0x300, s10;
	[sflag:s14] =	ssyncadd.s32 $0xFFFFE0C0  }
0xdd: {  	[tilespmem:s15], [sflag:$0x3] =	stream.indirect.gather [hbm4b:s4+s29], $0x40, s11, s29, $0xb8;
	[tilespmem:$0x19B40] =	vst v63  }
0xde: {  	s26 =	sadd.s32 $0x2A00, s10  }
0xdf: {  	[spmem:s2] =	stream.indirect.scatter.add.bf16 [tilespmem:s30], [sflag:$0x5], $0x40, s26, s29, $0xb8;
	[tilespmem:$0x19B40] =	vst v63  }
0xe0: {  	_ =	swait.ge [sflag:s16], $0x1F40  }
0xe1: {  	[sflag:s16] =	ssyncset.done $0x0  }
0xe2: {  	[sflag:s16] =	ssyncadd.s32 $0xFFFFE0C0  }
0xe3: {  	_ =	swait.ge [sflag:s18], $0x1F40  }
0xe4: {  	[sflag:s18] =	ssyncset.done $0x0  }
0xe5: {  	s26 =	sadd.s32 $0x380, s10;
	[sflag:s18] =	ssyncadd.s32 $0xFFFFE0C0  }
0xe6: {  	[tilespmem:s20], [sflag:$0x4] =	stream.indirect.gather [hbm4b:s4+s29], $0x40, s26, s29, $0xb8;
	[tilespmem:$0x19B40] =	vst v63  }
0xe7: {  	s26 =	sadd.s32 $0x2A80, s10  }
0xe8: {  	[spmem:s2] =	stream.indirect.scatter.add.bf16 [tilespmem:s0], [sflag:$0x6], $0x40, s26, s29, $0xb8;
	[tilespmem:$0x19B40] =	vst v63  }
0xe9: {  	p3 =	seq.s32 s9, $0x9000;
	_ =	swait.ge [sflag:s21], $0x1F40  }
.Ltmp5:
0xea: {  	[sflag:s21] =	ssyncset.done $0x0;
	(pc) =	sbr.rel @p3 .LBB2_5-.Ltmp5, $4  }
0xeb: {  	[sflag:s21] =	ssyncadd.s32 $0xFFFFE0C0  }
0xec: {  	_ =	swait.ge [sflag:s8], $0x1F40  }
0xed: {  	[sflag:s8] =	ssyncset.done $0x0  }
0xee: {  	s11 =	sadd.s32 $0x2B00, s10;
	[sflag:s8] =	ssyncadd.s32 $0xFFFFE0C0  }
0xef: {  	s26 =	sadd.s32 $0x400, s10  }
0xf0: {  	[tilespmem:s30], [sflag:$0x1] =	stream.indirect.gather [hbm4b:s4+s29], $0x40, s26, s29, $0xb8;
	[tilespmem:$0x19B40] =	vst v63  }
0xf1: {  	_ = 	snop  }
0xf2: {  	[spmem:s2] =	stream.indirect.scatter.add.bf16 [tilespmem:s15], [sflag:$0x7], $0x40, s11, s29, $0xb8;
	[tilespmem:$0x19B40] =	vst v63  }
0xf3: {  	_ =	swait.ge [sflag:s13], $0x1F40  }
0xf4: {  	[sflag:s13] =	ssyncset.done $0x0  }
0xf5: {  	[sflag:s13] =	ssyncadd.s32 $0xFFFFE0C0  }
0xf6: {  	_ =	swait.ge [sflag:s17], $0x1F40  }
.Ltmp6:
0xf7: {  	[sflag:s17] =	ssyncset.done $0x0;
	(pc) =	sbr.rel .LBB2_3-.Ltmp6, $4  }
0xf8: {  	s26 =	sadd.s32 $0x480, s10;
	[sflag:s17] =	ssyncadd.s32 $0xFFFFE0C0  }
0xf9: {  	[tilespmem:s0], [sflag:$0x2] =	stream.indirect.gather [hbm4b:s4+s29], $0x40, s26, s29, $0xb8;
	[tilespmem:$0x19B40] =	vst v63  }
0xfa: {  	s9 =	sadd.s32 $0x800, s9;
	s26 =	sadd.s32 $0x2B80, s10  }
0xfb: {  	[spmem:s2] =	stream.indirect.scatter.add.bf16 [tilespmem:s20], [sflag:$0x8], $0x40, s26, s29, $0xb8;
	[tilespmem:$0x19B40] =	vst v63  }
.LBB2_9:
0xfc: {  	[spmem:s2] =	stream.indirect.scatter.add.bf16 [tilespmem:s15], [sflag:$0x7], $0x40, s11, s29, $0xb8;
	[tilespmem:$0x19B40] =	vst v63  }
0xfd: {  	_ =	swait.ge [sflag:s13], $0x1F40  }
0xfe: {  	[sflag:s13] =	ssyncset.done $0x0  }
0xff: {  	[sflag:s13] =	ssyncadd.s32 $0xFFFFE0C0  }
0x100: {  	_ =	swait.ge [sflag:s17], $0x1F40  }
0x101: {  	[sflag:s17] =	ssyncset.done $0x0  }
0x102: {  	s9 =	sadd.s32 $0x2B80, s10;
	[sflag:s17] =	ssyncadd.s32 $0xFFFFE0C0  }
0x103: {  	[spmem:s2] =	stream.indirect.scatter.add.bf16 [tilespmem:s20], [sflag:$0x8], $0x40, s9, s29, $0xb8;
	[tilespmem:$0x19B40] =	vst v63  }
0x104: {  	_ =	swait.ge [sflag:s14], $0x1F40  }
0x105: {  	[sflag:s14] =	ssyncset.done $0x0  }
0x106: {  	[sflag:s14] =	ssyncadd.s32 $0xFFFFE0C0  }
.Ltmp7:
0x107: {  	_ =	swait.ge [sflag:s18], $0x1F40;
	(pc) =	sbr.rel @p1 .LBB2_11-.Ltmp7, $4  }
.Ltmp8:
0x108: {  	[sflag:s18] =	ssyncset.done $0x0;
	(pc) =	sbr.rel @!p1 .LBB2_10-.Ltmp8, $4  }
0x109: {  	[sflag:s18] =	ssyncadd.s32 $0xFFFFE0C0  }
0x10a: {  	[bflag:$0x0] =	sbarrier.arrive $0xFFFF  }
0x10b: {  	s9 =	rddreg [dreg:$0x4]  }
0x10c: {  	_ = 	snop  }
.LBB2_5:
0x10d: {  	[spmem:s2] =	stream.indirect.scatter.add.bf16 [tilespmem:s15], [sflag:$0x7], $0x40, s11, s29, $0xb8;
	[tilespmem:$0x19B40] =	vst v63  }
0x10e: {  	_ =	swait.ge [sflag:s13], $0x1F40  }
0x10f: {  	[sflag:s13] =	ssyncset.done $0x0  }
0x110: {  	[sflag:s13] =	ssyncadd.s32 $0xFFFFE0C0  }
0x111: {  	_ =	swait.ge [sflag:s17], $0x1F40  }
0x112: {  	[sflag:s17] =	ssyncset.done $0x0  }
0x113: {  	s9 =	sadd.s32 $0x2B80, s10;
	[sflag:s17] =	ssyncadd.s32 $0xFFFFE0C0  }
0x114: {  	[spmem:s2] =	stream.indirect.scatter.add.bf16 [tilespmem:s20], [sflag:$0x8], $0x40, s9, s29, $0xb8;
	[tilespmem:$0x19B40] =	vst v63  }
0x115: {  	_ =	swait.ge [sflag:s14], $0x1F40  }
0x116: {  	[sflag:s14] =	ssyncset.done $0x0  }
0x117: {  	[sflag:s14] =	ssyncadd.s32 $0xFFFFE0C0  }
.Ltmp9:
0x118: {  	_ =	swait.ge [sflag:s18], $0x1F40;
	(pc) =	sbr.rel @p2 .LBB2_10-.Ltmp9, $4  }
.Ltmp10:
0x119: {  	[sflag:s18] =	ssyncset.done $0x0;
	(pc) =	sbr.rel @!p2 .LBB2_11-.Ltmp10, $4  }
0x11a: {  	[sflag:s18] =	ssyncadd.s32 $0xFFFFE0C0  }
0x11b: {  	[bflag:$0x0] =	sbarrier.arrive $0xFFFF  }
0x11c: {  	s9 =	rddreg [dreg:$0x3]  }
0x11d: {  	_ = 	snop  }
.LBB2_12:
0x11e: {  	_ =	sfence.sel $0x180000  }
0x11f: {  	[bflag:$0x0] =	sbarrier.arrive $0xFFFF  }
0x120: {  	_ =	strace $0x9000004A  }
0x121: {  	s0 =	stileid.u32;
	[bflag:$0x2] =	sbarrier.arrive $0xFFFF  }
0x122: {  	p0 =	sne.s32 s0, $0x0;
	s0 =	rddreg [dreg:$0x2]  }
0x123: {  	s0 =	sadd.s32 @!p0 $0x100000, s0  }
0x124: {  	[sflag:s0] =	ssyncadd.tile.s32 @!p0 $0x1;
	_ =	shalt  }
.Lfunc_end2:
_tile_overlayer_lowered:
.L_overlay_start_2:
0x125: {  	(tag) =	ssettag $0x2  }
0x126: {  	s0 =	rddreg [dreg:$0x0];
	s2 =	stileid.u32  }
0x127: {  	s1 =	rddreg [dreg:$0x1];
	p0 =	sne.s32 s2, $0x0  }
0x128: {  	s3 =	rddreg [dreg:$0x2];
	[bflag:$0x3] =	sbarrier.arrive $0xFFFF;
	s2 =	simm.s32 @!p0 $0x1C0A  }
0x129: {  	[timem:s3], [sflag:s2] =	dma.local @!p0 [hbm:s0], s1  }
0x12a: {  	s0 =	simm.s32 @!p0 $0xA  }
0x12b: {  	_ =	swait.ge @!p0 [sflag:s0], s1  }
0x12c: {  	s1 =	ssub.s32 @!p0 $0x0, s1;
	[sflag:s0] =	ssyncset.done @!p0 $0x0  }
0x12d: {  	[sflag:s0] =	ssyncadd.s32 @!p0 s1  }
0x12e: {  	[bflag:$0x3] =	sbarrier.arrive $0xFFFF  }
0x12f: {  	_ =	shalt  }

</sc_bundles>
